<compile_context>
chip_gen: v7x
topology: tpu7x:2x2x1
jax: 0.10.2.dev20260603
libtpu: 0.0.44.dev20260713+nightly
codegen_flags: <defaults>
</compile_context>

<pallas_src>
import jax
import jax.numpy as jnp
from jax import lax
from jax.experimental import pallas as pl
from jax.experimental.pallas import tpu as pltpu
from jax.experimental.pallas import tpu_sc as plsc

_B = 16384
_V = 100000
_D = 16
_H = 128
_C = 387
_CHUNK = 4096

_F32 = jnp.float32


def _serve_column(tbl, idx_hbm, col, row_off, base, n_rows,
                  col_v, idx_v, res_v, sem_col, sem_idx, sem_out, out):
    cp_idx = pltpu.async_copy(idx_hbm.at[pl.ds(base, n_rows)],
                              idx_v.at[pl.ds(0, n_rows)], sem_idx)
    cp_col = pltpu.async_copy(tbl.at[col], col_v, sem_col)
    cp_idx.wait()
    cp_col.wait()
    out_cps = []
    for chunk in range(n_rows // _CHUNK):
        half = (chunk % 2) * _CHUNK
        if chunk >= 2:
            out_cps[chunk - 2].wait()

        @pl.loop(0, _CHUNK // 128)
        def _gather(i):
            base_w = chunk * _CHUNK + i * 128
            res_w = half + i * 128
            ids = [idx_v[pl.ds(base_w + j * 16, 16)] for j in range(8)]
            vals = [plsc.load_gather(col_v, [v]) for v in ids]
            for j, v in enumerate(vals):
                res_v[pl.ds(res_w + j * 16, 16)] = v

        out_cps.append(pltpu.async_copy(
            res_v.at[pl.ds(half, _CHUNK)],
            out.at[row_off + col, pl.ds(base + chunk * _CHUNK, _CHUNK)],
            sem_out))
    for cp in out_cps[-2:]:
        cp.wait()


def _sc_gather_body(m_idx, n_idx, k_idx, tbl_m, tbl_n, tbl_k, out,
                    col_v, idx_v, res_v, sem_col, sem_idx, sem_out):
    c = lax.axis_index("c")
    s = lax.axis_index("s")
    sems = (sem_col, sem_idx, sem_out)

    @pl.when(c == 0)
    def _():
        _serve_column(tbl_m, m_idx, s, 0, 0, _B, col_v, idx_v, res_v,
                      *sems, out)

    @pl.when(c == 1)
    def _():
        _serve_column(tbl_n, n_idx, s, _D, 0, _B, col_v, idx_v, res_v,
                      *sems, out)

    _serve_column(tbl_k, k_idx, s, 2 * _D, c * (_B // 2), _B // 2,
                  col_v, idx_v, res_v, *sems, out)


def _sc_gather(m_i, n_i, k_i, tbl_m_t, tbl_n_t, tbl_k_t):
    f = pl.kernel(
        _sc_gather_body,
        out_type=jax.ShapeDtypeStruct((3 * _D, _B), _F32),
        mesh=plsc.VectorSubcoreMesh(core_axis_name="c", subcore_axis_name="s"),
        compiler_params=pltpu.CompilerParams(needs_layout_passes=False),
        scratch_types=[
            pltpu.VMEM((_V,), _F32),
            pltpu.VMEM((_B,), jnp.int32),
            pltpu.VMEM((2 * _CHUNK,), _F32),
            pltpu.SemaphoreType.DMA,
            pltpu.SemaphoreType.DMA,
            pltpu.SemaphoreType.DMA,
        ],
    )
    return f(m_i, n_i, k_i, tbl_m_t, tbl_n_t, tbl_k_t)


_BB = 4096


def _mlp_body(cat_ref, w1t_ref, b1_ref, w2t_ref, b2_ref, out_ref):
    et = cat_ref[...]
    ht = jnp.dot(w1t_ref[...], et, preferred_element_type=_F32)
    ht = jnp.maximum(ht + b1_ref[...], 0.0)
    lt = jnp.dot(w2t_ref[...], ht, preferred_element_type=_F32)
    lt = lt + b2_ref[...]
    m = jnp.max(lt, axis=0, keepdims=True)
    e = jnp.exp(lt - m)
    out_ref[...] = e / jnp.sum(e, axis=0, keepdims=True)


def _mlp_t(cat_t, w1, b1, w2, b2):
    w1t = w1.T
    w2t = w2.T
    b1r = b1.reshape(_H, 1)
    b2r = b2.reshape(_C, 1)
    grid = (_B // _BB,)
    full = lambda shape: pl.BlockSpec(shape, lambda i: (0, 0))
    return pl.pallas_call(
        _mlp_body,
        grid=grid,
        in_specs=[
            pl.BlockSpec((3 * _D, _BB), lambda i: (0, i)),
            full((_H, 3 * _D)), full((_H, 1)),
            full((_C, _H)), full((_C, 1)),
        ],
        out_specs=pl.BlockSpec((_C, _BB), lambda i: (0, i)),
        out_shape=jax.ShapeDtypeStruct((_C, _B), _F32),
    )(cat_t, w1t, b1r, w2t, b2r)


def kernel(M, N, K, emb_M, emb_N, emb_K, W1, b1, W2, b2):
    m_i = M.astype(jnp.int32)
    n_i = N.astype(jnp.int32)
    k_i = K.astype(jnp.int32)
    cat_t = _sc_gather(m_i, n_i, k_i, emb_M.T, emb_N.T, emb_K.T)
    out_t = _mlp_t(cat_t, W1, b1, W2, b2)
    return out_t.T

# --- scband reference (transcript-rebuilt; emitter-appended) ---
"""Pipeline reference for scband-config-classifier-44916767981664 (READ-ONLY COPY).

The authoritative reference and input builder live on the scoring server;
editing this copy changes nothing except your own understanding.
"""

import jax, jax.numpy as jnp
import numpy as np

B = 16384
V = 100000
D = 16
H = 128
C = 387


def setup_inputs(seed: int = 0) -> dict:
    key = jax.random.key(seed)
    ks = jax.random.split(key, 10)
    M = jax.random.randint(ks[0], (B,), 0, V)
    N = jax.random.randint(ks[1], (B,), 0, V)
    K = jax.random.randint(ks[2], (B,), 0, V)
    emb_M = jax.random.normal(ks[3], (V, D), dtype=jnp.float32) * 0.02
    emb_N = jax.random.normal(ks[4], (V, D), dtype=jnp.float32) * 0.02
    emb_K = jax.random.normal(ks[5], (V, D), dtype=jnp.float32) * 0.02
    W1 = jax.random.normal(ks[6], (3 * D, H), dtype=jnp.float32) * 0.05
    b1 = jnp.zeros((H,), dtype=jnp.float32)
    W2 = jax.random.normal(ks[7], (H, C), dtype=jnp.float32) * 0.05
    b2 = jnp.zeros((C,), dtype=jnp.float32)
    return {"M": M, "N": N, "K": K, "emb_M": emb_M, "emb_N": emb_N,
            "emb_K": emb_K, "W1": W1, "b1": b1, "W2": W2, "b2": b2}


def reference(M, N, K, emb_M, emb_N, emb_K, W1, b1, W2, b2):
    e_M = jnp.take(emb_M, M, axis=0)
    e_N = jnp.take(emb_N, N, axis=0)
    e_K = jnp.take(emb_K, K, axis=0)
    concat = jnp.concatenate([e_M, e_N, e_K], axis=1)
    h = jax.nn.relu(concat @ W1 + b1)
    logits = h @ W2 + b2
    return jax.nn.softmax(logits, axis=1)

if __name__ == "__main__":
    import jax
    _d = setup_inputs()
    print(jax.jit(kernel)(*tuple(_d.values())))

</pallas_src>

<mosaic_0001>
#map = affine_map<(d0, d1) -> (0)>
#map1 = affine_map<(d0, d1) -> (0, 0)>
module attributes {stable_mosaic.version = 14 : i64} {
  func.func @_sc_gather_body(%arg0: i32, %arg1: i32, %arg2: memref<16384xi32, #tpu.memory_space<hbm>>, %arg3: memref<16384xi32, #tpu.memory_space<hbm>>, %arg4: memref<16384xi32, #tpu.memory_space<hbm>>, %arg5: memref<16x100000xf32, #tpu.memory_space<hbm>>, %arg6: memref<16x100000xf32, #tpu.memory_space<hbm>>, %arg7: memref<16x100000xf32, #tpu.memory_space<hbm>>, %arg8: memref<48x16384xf32, #tpu.memory_space<hbm>>, %arg9: memref<100000xf32, #tpu.memory_space<vmem>>, %arg10: memref<16384xi32, #tpu.memory_space<vmem>>, %arg11: memref<8192xf32, #tpu.memory_space<vmem>>, %arg12: memref<!tpu.dma_semaphore, #tpu.memory_space<semaphore_mem>>, %arg13: memref<!tpu.dma_semaphore, #tpu.memory_space<semaphore_mem>>, %arg14: memref<!tpu.dma_semaphore, #tpu.memory_space<semaphore_mem>>) attributes {dimension_semantics = [#tpu.dimension_semantics<core_parallel>, #tpu.dimension_semantics<subcore_parallel>], iteration_bounds = array<i64: 2, 16>, scalar_prefetch = 0 : i64, scratch_operands = 6 : i64, tpu.core_type = #tpu.core_type<sc_vector_subcore>, window_params = [{transform_indices = #map}, {transform_indices = #map}, {transform_indices = #map}, {transform_indices = #map1}, {transform_indices = #map1}, {transform_indices = #map1}, {transform_indices = #map1}]} {
    %eq3A = arith.constant 0 : i32
    %eq3A_0 = arith.cmpi eq, %arg0, %eq3A : i32
    %convert_element_type3A = arith.extui %eq3A_0 : i1 to i32
    %cond3A = arith.constant 0 : i32
    %cond3A_1 = arith.cmpi ne, %convert_element_type3A, %cond3A : i32
    scf.if %cond3A_1 {
      %dma_start3A_78 = arith.constant 0 : i32
      %dma_start3A_79 = tpu.memref_slice %arg10[%dma_start3A_78] : memref<16384xi32, #tpu.memory_space<vmem>> -> memref<16384xi32, #tpu.memory_space<vmem>>
      %dma_start3A_80 = arith.constant 0 : i32
      %dma_start3A_81 = tpu.memref_slice %arg2[%dma_start3A_80] : memref<16384xi32, #tpu.memory_space<hbm>> -> memref<16384xi32, #tpu.memory_space<hbm>>
      %dma_start3A_82 = arith.constant 0 : i32
      %dma_start3A_83 = tpu.memref_slice %arg10[%dma_start3A_82] : memref<16384xi32, #tpu.memory_space<vmem>> -> memref<16384xi32, #tpu.memory_space<vmem>>
      %dma_start3A_84 = arith.constant 0 : i32
      %dma_start3A_85 = tpu.memref_slice %arg2[%dma_start3A_84] : memref<16384xi32, #tpu.memory_space<hbm>> -> memref<16384xi32, #tpu.memory_space<hbm>>
      tpu.enqueue_dma source(%dma_start3A_85 : memref<16384xi32, #tpu.memory_space<hbm>>) target(%dma_start3A_83 : memref<16384xi32, #tpu.memory_space<vmem>>) target_semaphore(%arg13 : memref<!tpu.dma_semaphore, #tpu.memory_space<semaphore_mem>>)
      %dma_start3A_86 = arith.constant 0 : i32
      %dma_start3A_87 = tpu.memref_slice %arg5[%arg1, %dma_start3A_86] : memref<16x100000xf32, #tpu.memory_space<hbm>> -> memref<1x100000xf32, #tpu.memory_space<hbm>>
      %dma_start3A_88 = tpu.memref_squeeze %dma_start3A_87 : memref<1x100000xf32, #tpu.memory_space<hbm>> -> memref<100000xf32, #tpu.memory_space<hbm>>
      %dma_start3A_89 = arith.constant 0 : i32
      %dma_start3A_90 = tpu.memref_slice %arg5[%arg1, %dma_start3A_89] : memref<16x100000xf32, #tpu.memory_space<hbm>> -> memref<1x100000xf32, #tpu.memory_space<hbm>>
      %dma_start3A_91 = tpu.memref_squeeze %dma_start3A_90 : memref<1x100000xf32, #tpu.memory_space<hbm>> -> memref<100000xf32, #tpu.memory_space<hbm>>
      tpu.enqueue_dma source(%dma_start3A_91 : memref<100000xf32, #tpu.memory_space<hbm>>) target(%arg9 : memref<100000xf32, #tpu.memory_space<vmem>>) target_semaphore(%arg12 : memref<!tpu.dma_semaphore, #tpu.memory_space<semaphore_mem>>)
      %dma_wait3A_92 = arith.constant 0 : i32
      %dma_wait3A_93 = tpu.memref_slice %arg10[%dma_wait3A_92] : memref<16384xi32, #tpu.memory_space<vmem>> -> memref<16384xi32, #tpu.memory_space<vmem>>
      %dma_wait3A_94 = arith.constant 0 : i32
      %dma_wait3A_95 = tpu.memref_slice %arg2[%dma_wait3A_94] : memref<16384xi32, #tpu.memory_space<hbm>> -> memref<16384xi32, #tpu.memory_space<hbm>>
      %dma_wait3A_96 = arith.constant 0 : i32
      %dma_wait3A_97 = tpu.memref_slice %arg10[%dma_wait3A_96] : memref<16384xi32, #tpu.memory_space<vmem>> -> memref<16384xi32, #tpu.memory_space<vmem>>
      %dma_wait3A_98 = arith.constant 0 : i32
      %dma_wait3A_99 = tpu.memref_slice %arg2[%dma_wait3A_98] : memref<16384xi32, #tpu.memory_space<hbm>> -> memref<16384xi32, #tpu.memory_space<hbm>>
      tpu.wait_dma2 semaphore(%arg13 : memref<!tpu.dma_semaphore, #tpu.memory_space<semaphore_mem>>) src(%dma_wait3A_99 : memref<16384xi32, #tpu.memory_space<hbm>>) dst(%dma_wait3A_97 : memref<16384xi32, #tpu.memory_space<vmem>>)
      %dma_wait3A_100 = arith.constant 0 : i32
      %dma_wait3A_101 = tpu.memref_slice %arg5[%arg1, %dma_wait3A_100] : memref<16x100000xf32, #tpu.memory_space<hbm>> -> memref<1x100000xf32, #tpu.memory_space<hbm>>
      %dma_wait3A_102 = tpu.memref_squeeze %dma_wait3A_101 : memref<1x100000xf32, #tpu.memory_space<hbm>> -> memref<100000xf32, #tpu.memory_space<hbm>>
      %dma_wait3A_103 = arith.constant 0 : i32
      %dma_wait3A_104 = tpu.memref_slice %arg5[%arg1, %dma_wait3A_103] : memref<16x100000xf32, #tpu.memory_space<hbm>> -> memref<1x100000xf32, #tpu.memory_space<hbm>>
      %dma_wait3A_105 = tpu.memref_squeeze %dma_wait3A_104 : memref<1x100000xf32, #tpu.memory_space<hbm>> -> memref<100000xf32, #tpu.memory_space<hbm>>
      tpu.wait_dma2 semaphore(%arg12 : memref<!tpu.dma_semaphore, #tpu.memory_space<semaphore_mem>>) src(%dma_wait3A_105 : memref<100000xf32, #tpu.memory_space<hbm>>) dst(%arg9 : memref<100000xf32, #tpu.memory_space<vmem>>)
      %scan3A_106 = arith.constant 0 : i32
      %scan3A_107 = arith.constant 32 : i32
      %scan3A_108 = arith.addi %scan3A_106, %scan3A_107 : i32
      %scan3A_109 = arith.constant 1 : i32
      scf.for %scan3A_214 = %scan3A_106 to %scan3A_108 step %scan3A_109  : i32 {
        %mul3A_215 = arith.constant 1 : i32
        %mul3A_216 = arith.muli %scan3A_214, %mul3A_215 : i32
        %add3A_217 = arith.constant 0 : i32
        %add3A_218 = arith.addi %add3A_217, %mul3A_216 : i32
        %mul3A_219 = arith.constant 128 : i32
        %mul3A_220 = arith.muli %add3A_218, %mul3A_219 : i32
        %add3A_221 = arith.constant 0 : i32
        %add3A_222 = arith.addi %add3A_221, %mul3A_220 : i32
        %mul3A_223 = arith.constant 128 : i32
        %mul3A_224 = arith.muli %add3A_218, %mul3A_223 : i32
        %add3A_225 = arith.constant 0 : i32
        %add3A_226 = arith.addi %add3A_225, %mul3A_224 : i32
        %add3A_227 = arith.constant 0 : i32
        %add3A_228 = arith.addi %add3A_222, %add3A_227 : i32
        %get3A = arith.index_cast %add3A_228 : i32 to index
        %get3A_229 = tpu.vector_load %arg10[%get3A] {strides = array<i32>} : memref<16384xi32, #tpu.memory_space<vmem>>, vector<16xi32>,
        %add3A_230 = arith.constant 16 : i32
        %add3A_231 = arith.addi %add3A_222, %add3A_230 : i32
        %get3A_232 = arith.index_cast %add3A_231 : i32 to index
        %get3A_233 = tpu.vector_load %arg10[%get3A_232] {strides = array<i32>} : memref<16384xi32, #tpu.memory_space<vmem>>, vector<16xi32>,
        %add3A_234 = arith.constant 32 : i32
        %add3A_235 = arith.addi %add3A_222, %add3A_234 : i32
        %get3A_236 = arith.index_cast %add3A_235 : i32 to index
        %get3A_237 = tpu.vector_load %arg10[%get3A_236] {strides = array<i32>} : memref<16384xi32, #tpu.memory_space<vmem>>, vector<16xi32>,
        %add3A_238 = arith.constant 48 : i32
        %add3A_239 = arith.addi %add3A_222, %add3A_238 : i32
        %get3A_240 = arith.index_cast %add3A_239 : i32 to index
        %get3A_241 = tpu.vector_load %arg10[%get3A_240] {strides = array<i32>} : memref<16384xi32, #tpu.memory_space<vmem>>, vector<16xi32>,
        %add3A_242 = arith.constant 64 : i32
        %add3A_243 = arith.addi %add3A_222, %add3A_242 : i32
        %get3A_244 = arith.index_cast %add3A_243 : i32 to index
        %get3A_245 = tpu.vector_load %arg10[%get3A_244] {strides = array<i32>} : memref<16384xi32, #tpu.memory_space<vmem>>, vector<16xi32>,
        %add3A_246 = arith.constant 80 : i32
        %add3A_247 = arith.addi %add3A_222, %add3A_246 : i32
        %get3A_248 = arith.index_cast %add3A_247 : i32 to index
        %get3A_249 = tpu.vector_load %arg10[%get3A_248] {strides = array<i32>} : memref<16384xi32, #tpu.memory_space<vmem>>, vector<16xi32>,
        %add3A_250 = arith.constant 96 : i32
        %add3A_251 = arith.addi %add3A_222, %add3A_250 : i32
        %get3A_252 = arith.index_cast %add3A_251 : i32 to index
        %get3A_253 = tpu.vector_load %arg10[%get3A_252] {strides = array<i32>} : memref<16384xi32, #tpu.memory_space<vmem>>, vector<16xi32>,
        %add3A_254 = arith.constant 112 : i32
        %add3A_255 = arith.addi %add3A_222, %add3A_254 : i32
        %get3A_256 = arith.index_cast %add3A_255 : i32 to index
        %get3A_257 = tpu.vector_load %arg10[%get3A_256] {strides = array<i32>} : memref<16384xi32, #tpu.memory_space<vmem>>, vector<16xi32>,
        %gather3A = tpu.vector_load_idx %arg9[%get3A_229] : memref<100000xf32, #tpu.memory_space<vmem>>[vector<16xi32>], vector<16xf32>,
        %gather3A_258 = tpu.vector_load_idx %arg9[%get3A_233] : memref<100000xf32, #tpu.memory_space<vmem>>[vector<16xi32>], vector<16xf32>,
        %gather3A_259 = tpu.vector_load_idx %arg9[%get3A_237] : memref<100000xf32, #tpu.memory_space<vmem>>[vector<16xi32>], vector<16xf32>,
        %gather3A_260 = tpu.vector_load_idx %arg9[%get3A_241] : memref<100000xf32, #tpu.memory_space<vmem>>[vector<16xi32>], vector<16xf32>,
        %gather3A_261 = tpu.vector_load_idx %arg9[%get3A_245] : memref<100000xf32, #tpu.memory_space<vmem>>[vector<16xi32>], vector<16xf32>,
        %gather3A_262 = tpu.vector_load_idx %arg9[%get3A_249] : memref<100000xf32, #tpu.memory_space<vmem>>[vector<16xi32>], vector<16xf32>,
        %gather3A_263 = tpu.vector_load_idx %arg9[%get3A_253] : memref<100000xf32, #tpu.memory_space<vmem>>[vector<16xi32>], vector<16xf32>,
        %gather3A_264 = tpu.vector_load_idx %arg9[%get3A_257] : memref<100000xf32, #tpu.memory_space<vmem>>[vector<16xi32>], vector<16xf32>,
        %add3A_265 = arith.constant 0 : i32
        %add3A_266 = arith.addi %add3A_226, %add3A_265 : i32
        %swap3A = arith.index_cast %add3A_266 : i32 to index
        %swap3A_267 = tpu.vector_load %arg11[%swap3A] {strides = array<i32>} : memref<8192xf32, #tpu.memory_space<vmem>>, vector<16xf32>,
        tpu.vector_store %arg11[%swap3A], %gather3A {strides = array<i32>} : memref<8192xf32, #tpu.memory_space<vmem>>, vector<16xf32>,
        %add3A_268 = arith.constant 16 : i32
        %add3A_269 = arith.addi %add3A_226, %add3A_268 : i32
        %swap3A_270 = arith.index_cast %add3A_269 : i32 to index
        %swap3A_271 = tpu.vector_load %arg11[%swap3A_270] {strides = array<i32>} : memref<8192xf32, #tpu.memory_space<vmem>>, vector<16xf32>,
        tpu.vector_store %arg11[%swap3A_270], %gather3A_258 {strides = array<i32>} : memref<8192xf32, #tpu.memory_space<vmem>>, vector<16xf32>,
        %add3A_272 = arith.constant 32 : i32
        %add3A_273 = arith.addi %add3A_226, %add3A_272 : i32
        %swap3A_274 = arith.index_cast %add3A_273 : i32 to index
        %swap3A_275 = tpu.vector_load %arg11[%swap3A_274] {strides = array<i32>} : memref<8192xf32, #tpu.memory_space<vmem>>, vector<16xf32>,
        tpu.vector_store %arg11[%swap3A_274], %gather3A_259 {strides = array<i32>} : memref<8192xf32, #tpu.memory_space<vmem>>, vector<16xf32>,
        %add3A_276 = arith.constant 48 : i32
        %add3A_277 = arith.addi %add3A_226, %add3A_276 : i32
        %swap3A_278 = arith.index_cast %add3A_277 : i32 to index
        %swap3A_279 = tpu.vector_load %arg11[%swap3A_278] {strides = array<i32>} : memref<8192xf32, #tpu.memory_space<vmem>>, vector<16xf32>,
        tpu.vector_store %arg11[%swap3A_278], %gather3A_260 {strides = array<i32>} : memref<8192xf32, #tpu.memory_space<vmem>>, vector<16xf32>,
        %add3A_280 = arith.constant 64 : i32
        %add3A_281 = arith.addi %add3A_226, %add3A_280 : i32
        %swap3A_282 = arith.index_cast %add3A_281 : i32 to index
        %swap3A_283 = tpu.vector_load %arg11[%swap3A_282] {strides = array<i32>} : memref<8192xf32, #tpu.memory_space<vmem>>, vector<16xf32>,
        tpu.vector_store %arg11[%swap3A_282], %gather3A_261 {strides = array<i32>} : memref<8192xf32, #tpu.memory_space<vmem>>, vector<16xf32>,
        %add3A_284 = arith.constant 80 : i32
        %add3A_285 = arith.addi %add3A_226, %add3A_284 : i32
        %swap3A_286 = arith.index_cast %add3A_285 : i32 to index
        %swap3A_287 = tpu.vector_load %arg11[%swap3A_286] {strides = array<i32>} : memref<8192xf32, #tpu.memory_space<vmem>>, vector<16xf32>,
        tpu.vector_store %arg11[%swap3A_286], %gather3A_262 {strides = array<i32>} : memref<8192xf32, #tpu.memory_space<vmem>>, vector<16xf32>,
        %add3A_288 = arith.constant 96 : i32
        %add3A_289 = arith.addi %add3A_226, %add3A_288 : i32
        %swap3A_290 = arith.index_cast %add3A_289 : i32 to index
        %swap3A_291 = tpu.vector_load %arg11[%swap3A_290] {strides = array<i32>} : memref<8192xf32, #tpu.memory_space<vmem>>, vector<16xf32>,
        tpu.vector_store %arg11[%swap3A_290], %gather3A_263 {strides = array<i32>} : memref<8192xf32, #tpu.memory_space<vmem>>, vector<16xf32>,
        %add3A_292 = arith.constant 112 : i32
        %add3A_293 = arith.addi %add3A_226, %add3A_292 : i32
        %swap3A_294 = arith.index_cast %add3A_293 : i32 to index
        %swap3A_295 = tpu.vector_load %arg11[%swap3A_294] {strides = array<i32>} : memref<8192xf32, #tpu.memory_space<vmem>>, vector<16xf32>,
        tpu.vector_store %arg11[%swap3A_294], %gather3A_264 {strides = array<i32>} : memref<8192xf32, #tpu.memory_space<vmem>>, vector<16xf32>,
      }
      %scan3A_110 = arith.constant 32 : i32
      %add3A_111 = arith.constant 0 : i32
      %add3A_112 = arith.addi %add3A_111, %arg1 : i32
      %dma_start3A_113 = arith.constant 0 : i32
      %dma_start3A_114 = tpu.memref_slice %arg11[%dma_start3A_113] : memref<8192xf32, #tpu.memory_space<vmem>> -> memref<4096xf32, #tpu.memory_space<vmem>>
      %dma_start3A_115 = arith.constant 0 : i32
      %dma_start3A_116 = tpu.memref_slice %arg8[%add3A_112, %dma_start3A_115] : memref<48x16384xf32, #tpu.memory_space<hbm>> -> memref<1x4096xf32, #tpu.memory_space<hbm>>
      %dma_start3A_117 = tpu.memref_squeeze %dma_start3A_116 : memref<1x4096xf32, #tpu.memory_space<hbm>> -> memref<4096xf32, #tpu.memory_space<hbm>>
      %dma_start3A_118 = arith.constant 0 : i32
      %dma_start3A_119 = tpu.memref_slice %arg8[%add3A_112, %dma_start3A_118] : memref<48x16384xf32, #tpu.memory_space<hbm>> -> memref<1x4096xf32, #tpu.memory_space<hbm>>
      %dma_start3A_120 = tpu.memref_squeeze %dma_start3A_119 : memref<1x4096xf32, #tpu.memory_space<hbm>> -> memref<4096xf32, #tpu.memory_space<hbm>>
      %dma_start3A_121 = arith.constant 0 : i32
      %dma_start3A_122 = tpu.memref_slice %arg11[%dma_start3A_121] : memref<8192xf32, #tpu.memory_space<vmem>> -> memref<4096xf32, #tpu.memory_space<vmem>>
      tpu.enqueue_dma source(%dma_start3A_122 : memref<4096xf32, #tpu.memory_space<vmem>>) target(%dma_start3A_120 : memref<4096xf32, #tpu.memory_space<hbm>>) target_semaphore(%arg14 : memref<!tpu.dma_semaphore, #tpu.memory_space<semaphore_mem>>)
      %scan3A_123 = arith.constant 0 : i32
      %scan3A_124 = arith.constant 32 : i32
      %scan3A_125 = arith.addi %scan3A_123, %scan3A_124 : i32
      %scan3A_126 = arith.constant 1 : i32
      scf.for %scan3A_214 = %scan3A_123 to %scan3A_125 step %scan3A_126  : i32 {
        %mul3A_215 = arith.constant 1 : i32
        %mul3A_216 = arith.muli %scan3A_214, %mul3A_215 : i32
        %add3A_217 = arith.constant 0 : i32
        %add3A_218 = arith.addi %add3A_217, %mul3A_216 : i32
        %mul3A_219 = arith.constant 128 : i32
        %mul3A_220 = arith.muli %add3A_218, %mul3A_219 : i32
        %add3A_221 = arith.constant 4096 : i32
        %add3A_222 = arith.addi %add3A_221, %mul3A_220 : i32
        %mul3A_223 = arith.constant 128 : i32
        %mul3A_224 = arith.muli %add3A_218, %mul3A_223 : i32
        %add3A_225 = arith.constant 4096 : i32
        %add3A_226 = arith.addi %add3A_225, %mul3A_224 : i32
        %add3A_227 = arith.constant 0 : i32
        %add3A_228 = arith.addi %add3A_222, %add3A_227 : i32
        %get3A = arith.index_cast %add3A_228 : i32 to index
        %get3A_229 = tpu.vector_load %arg10[%get3A] {strides = array<i32>} : memref<16384xi32, #tpu.memory_space<vmem>>, vector<16xi32>,
        %add3A_230 = arith.constant 16 : i32
        %add3A_231 = arith.addi %add3A_222, %add3A_230 : i32
        %get3A_232 = arith.index_cast %add3A_231 : i32 to index
        %get3A_233 = tpu.vector_load %arg10[%get3A_232] {strides = array<i32>} : memref<16384xi32, #tpu.memory_space<vmem>>, vector<16xi32>,
        %add3A_234 = arith.constant 32 : i32
        %add3A_235 = arith.addi %add3A_222, %add3A_234 : i32
        %get3A_236 = arith.index_cast %add3A_235 : i32 to index
        %get3A_237 = tpu.vector_load %arg10[%get3A_236] {strides = array<i32>} : memref<16384xi32, #tpu.memory_space<vmem>>, vector<16xi32>,
        %add3A_238 = arith.constant 48 : i32
        %add3A_239 = arith.addi %add3A_222, %add3A_238 : i32
        %get3A_240 = arith.index_cast %add3A_239 : i32 to index
        %get3A_241 = tpu.vector_load %arg10[%get3A_240] {strides = array<i32>} : memref<16384xi32, #tpu.memory_space<vmem>>, vector<16xi32>,
        %add3A_242 = arith.constant 64 : i32
        %add3A_243 = arith.addi %add3A_222, %add3A_242 : i32
        %get3A_244 = arith.index_cast %add3A_243 : i32 to index
        %get3A_245 = tpu.vector_load %arg10[%get3A_244] {strides = array<i32>} : memref<16384xi32, #tpu.memory_space<vmem>>, vector<16xi32>,
        %add3A_246 = arith.constant 80 : i32
        %add3A_247 = arith.addi %add3A_222, %add3A_246 : i32
        %get3A_248 = arith.index_cast %add3A_247 : i32 to index
        %get3A_249 = tpu.vector_load %arg10[%get3A_248] {strides = array<i32>} : memref<16384xi32, #tpu.memory_space<vmem>>, vector<16xi32>,
        %add3A_250 = arith.constant 96 : i32
        %add3A_251 = arith.addi %add3A_222, %add3A_250 : i32
        %get3A_252 = arith.index_cast %add3A_251 : i32 to index
        %get3A_253 = tpu.vector_load %arg10[%get3A_252] {strides = array<i32>} : memref<16384xi32, #tpu.memory_space<vmem>>, vector<16xi32>,
        %add3A_254 = arith.constant 112 : i32
        %add3A_255 = arith.addi %add3A_222, %add3A_254 : i32
        %get3A_256 = arith.index_cast %add3A_255 : i32 to index
        %get3A_257 = tpu.vector_load %arg10[%get3A_256] {strides = array<i32>} : memref<16384xi32, #tpu.memory_space<vmem>>, vector<16xi32>,
        %gather3A = tpu.vector_load_idx %arg9[%get3A_229] : memref<100000xf32, #tpu.memory_space<vmem>>[vector<16xi32>], vector<16xf32>,
        %gather3A_258 = tpu.vector_load_idx %arg9[%get3A_233] : memref<100000xf32, #tpu.memory_space<vmem>>[vector<16xi32>], vector<16xf32>,
        %gather3A_259 = tpu.vector_load_idx %arg9[%get3A_237] : memref<100000xf32, #tpu.memory_space<vmem>>[vector<16xi32>], vector<16xf32>,
        %gather3A_260 = tpu.vector_load_idx %arg9[%get3A_241] : memref<100000xf32, #tpu.memory_space<vmem>>[vector<16xi32>], vector<16xf32>,
        %gather3A_261 = tpu.vector_load_idx %arg9[%get3A_245] : memref<100000xf32, #tpu.memory_space<vmem>>[vector<16xi32>], vector<16xf32>,
        %gather3A_262 = tpu.vector_load_idx %arg9[%get3A_249] : memref<100000xf32, #tpu.memory_space<vmem>>[vector<16xi32>], vector<16xf32>,
        %gather3A_263 = tpu.vector_load_idx %arg9[%get3A_253] : memref<100000xf32, #tpu.memory_space<vmem>>[vector<16xi32>], vector<16xf32>,
        %gather3A_264 = tpu.vector_load_idx %arg9[%get3A_257] : memref<100000xf32, #tpu.memory_space<vmem>>[vector<16xi32>], vector<16xf32>,
        %add3A_265 = arith.constant 0 : i32
        %add3A_266 = arith.addi %add3A_226, %add3A_265 : i32
        %swap3A = arith.index_cast %add3A_266 : i32 to index
        %swap3A_267 = tpu.vector_load %arg11[%swap3A] {strides = array<i32>} : memref<8192xf32, #tpu.memory_space<vmem>>, vector<16xf32>,
        tpu.vector_store %arg11[%swap3A], %gather3A {strides = array<i32>} : memref<8192xf32, #tpu.memory_space<vmem>>, vector<16xf32>,
        %add3A_268 = arith.constant 16 : i32
        %add3A_269 = arith.addi %add3A_226, %add3A_268 : i32
        %swap3A_270 = arith.index_cast %add3A_269 : i32 to index
        %swap3A_271 = tpu.vector_load %arg11[%swap3A_270] {strides = array<i32>} : memref<8192xf32, #tpu.memory_space<vmem>>, vector<16xf32>,
        tpu.vector_store %arg11[%swap3A_270], %gather3A_258 {strides = array<i32>} : memref<8192xf32, #tpu.memory_space<vmem>>, vector<16xf32>,
        %add3A_272 = arith.constant 32 : i32
        %add3A_273 = arith.addi %add3A_226, %add3A_272 : i32
        %swap3A_274 = arith.index_cast %add3A_273 : i32 to index
        %swap3A_275 = tpu.vector_load %arg11[%swap3A_274] {strides = array<i32>} : memref<8192xf32, #tpu.memory_space<vmem>>, vector<16xf32>,
        tpu.vector_store %arg11[%swap3A_274], %gather3A_259 {strides = array<i32>} : memref<8192xf32, #tpu.memory_space<vmem>>, vector<16xf32>,
        %add3A_276 = arith.constant 48 : i32
        %add3A_277 = arith.addi %add3A_226, %add3A_276 : i32
        %swap3A_278 = arith.index_cast %add3A_277 : i32 to index
        %swap3A_279 = tpu.vector_load %arg11[%swap3A_278] {strides = array<i32>} : memref<8192xf32, #tpu.memory_space<vmem>>, vector<16xf32>,
        tpu.vector_store %arg11[%swap3A_278], %gather3A_260 {strides = array<i32>} : memref<8192xf32, #tpu.memory_space<vmem>>, vector<16xf32>,
        %add3A_280 = arith.constant 64 : i32
        %add3A_281 = arith.addi %add3A_226, %add3A_280 : i32
        %swap3A_282 = arith.index_cast %add3A_281 : i32 to index
        %swap3A_283 = tpu.vector_load %arg11[%swap3A_282] {strides = array<i32>} : memref<8192xf32, #tpu.memory_space<vmem>>, vector<16xf32>,
        tpu.vector_store %arg11[%swap3A_282], %gather3A_261 {strides = array<i32>} : memref<8192xf32, #tpu.memory_space<vmem>>, vector<16xf32>,
        %add3A_284 = arith.constant 80 : i32
        %add3A_285 = arith.addi %add3A_226, %add3A_284 : i32
        %swap3A_286 = arith.index_cast %add3A_285 : i32 to index
        %swap3A_287 = tpu.vector_load %arg11[%swap3A_286] {strides = array<i32>} : memref<8192xf32, #tpu.memory_space<vmem>>, vector<16xf32>,
        tpu.vector_store %arg11[%swap3A_286], %gather3A_262 {strides = array<i32>} : memref<8192xf32, #tpu.memory_space<vmem>>, vector<16xf32>,
        %add3A_288 = arith.constant 96 : i32
        %add3A_289 = arith.addi %add3A_226, %add3A_288 : i32
        %swap3A_290 = arith.index_cast %add3A_289 : i32 to index
        %swap3A_291 = tpu.vector_load %arg11[%swap3A_290] {strides = array<i32>} : memref<8192xf32, #tpu.memory_space<vmem>>, vector<16xf32>,
        tpu.vector_store %arg11[%swap3A_290], %gather3A_263 {strides = array<i32>} : memref<8192xf32, #tpu.memory_space<vmem>>, vector<16xf32>,
        %add3A_292 = arith.constant 112 : i32
        %add3A_293 = arith.addi %add3A_226, %add3A_292 : i32
        %swap3A_294 = arith.index_cast %add3A_293 : i32 to index
        %swap3A_295 = tpu.vector_load %arg11[%swap3A_294] {strides = array<i32>} : memref<8192xf32, #tpu.memory_space<vmem>>, vector<16xf32>,
        tpu.vector_store %arg11[%swap3A_294], %gather3A_264 {strides = array<i32>} : memref<8192xf32, #tpu.memory_space<vmem>>, vector<16xf32>,
      }
      %scan3A_127 = arith.constant 32 : i32
      %add3A_128 = arith.constant 0 : i32
      %add3A_129 = arith.addi %add3A_128, %arg1 : i32
      %dma_start3A_130 = arith.constant 4096 : i32
      %dma_start3A_131 = tpu.memref_slice %arg11[%dma_start3A_130] : memref<8192xf32, #tpu.memory_space<vmem>> -> memref<4096xf32, #tpu.memory_space<vmem>>
      %dma_start3A_132 = arith.constant 4096 : i32
      %dma_start3A_133 = tpu.memref_slice %arg8[%add3A_129, %dma_start3A_132] : memref<48x16384xf32, #tpu.memory_space<hbm>> -> memref<1x4096xf32, #tpu.memory_space<hbm>>
      %dma_start3A_134 = tpu.memref_squeeze %dma_start3A_133 : memref<1x4096xf32, #tpu.memory_space<hbm>> -> memref<4096xf32, #tpu.memory_space<hbm>>
      %dma_start3A_135 = arith.constant 4096 : i32
      %dma_start3A_136 = tpu.memref_slice %arg8[%add3A_129, %dma_start3A_135] : memref<48x16384xf32, #tpu.memory_space<hbm>> -> memref<1x4096xf32, #tpu.memory_space<hbm>>
      %dma_start3A_137 = tpu.memref_squeeze %dma_start3A_136 : memref<1x4096xf32, #tpu.memory_space<hbm>> -> memref<4096xf32, #tpu.memory_space<hbm>>
      %dma_start3A_138 = arith.constant 4096 : i32
      %dma_start3A_139 = tpu.memref_slice %arg11[%dma_start3A_138] : memref<8192xf32, #tpu.memory_space<vmem>> -> memref<4096xf32, #tpu.memory_space<vmem>>
      tpu.enqueue_dma source(%dma_start3A_139 : memref<4096xf32, #tpu.memory_space<vmem>>) target(%dma_start3A_137 : memref<4096xf32, #tpu.memory_space<hbm>>) target_semaphore(%arg14 : memref<!tpu.dma_semaphore, #tpu.memory_space<semaphore_mem>>)
      %dma_wait3A_140 = arith.constant 0 : i32
      %dma_wait3A_141 = tpu.memref_slice %arg11[%dma_wait3A_140] : memref<8192xf32, #tpu.memory_space<vmem>> -> memref<4096xf32, #tpu.memory_space<vmem>>
      %dma_wait3A_142 = arith.constant 0 : i32
      %dma_wait3A_143 = tpu.memref_slice %arg8[%add3A_112, %dma_wait3A_142] : memref<48x16384xf32, #tpu.memory_space<hbm>> -> memref<1x4096xf32, #tpu.memory_space<hbm>>
      %dma_wait3A_144 = tpu.memref_squeeze %dma_wait3A_143 : memref<1x4096xf32, #tpu.memory_space<hbm>> -> memref<4096xf32, #tpu.memory_space<hbm>>
      %dma_wait3A_145 = arith.constant 0 : i32
      %dma_wait3A_146 = tpu.memref_slice %arg8[%add3A_112, %dma_wait3A_145] : memref<48x16384xf32, #tpu.memory_space<hbm>> -> memref<1x4096xf32, #tpu.memory_space<hbm>>
      %dma_wait3A_147 = tpu.memref_squeeze %dma_wait3A_146 : memref<1x4096xf32, #tpu.memory_space<hbm>> -> memref<4096xf32, #tpu.memory_space<hbm>>
      %dma_wait3A_148 = arith.constant 0 : i32
      %dma_wait3A_149 = tpu.memref_slice %arg11[%dma_wait3A_148] : memref<8192xf32, #tpu.memory_space<vmem>> -> memref<4096xf32, #tpu.memory_space<vmem>>
      tpu.wait_dma2 semaphore(%arg14 : memref<!tpu.dma_semaphore, #tpu.memory_space<semaphore_mem>>) src(%dma_wait3A_149 : memref<4096xf32, #tpu.memory_space<vmem>>) dst(%dma_wait3A_147 : memref<4096xf32, #tpu.memory_space<hbm>>)
      %scan3A_150 = arith.constant 0 : i32
      %scan3A_151 = arith.constant 32 : i32
      %scan3A_152 = arith.addi %scan3A_150, %scan3A_151 : i32
      %scan3A_153 = arith.constant 1 : i32
      scf.for %scan3A_214 = %scan3A_150 to %scan3A_152 step %scan3A_153  : i32 {
        %mul3A_215 = arith.constant 1 : i32
        %mul3A_216 = arith.muli %scan3A_214, %mul3A_215 : i32
        %add3A_217 = arith.constant 0 : i32
        %add3A_218 = arith.addi %add3A_217, %mul3A_216 : i32
        %mul3A_219 = arith.constant 128 : i32
        %mul3A_220 = arith.muli %add3A_218, %mul3A_219 : i32
        %add3A_221 = arith.constant 8192 : i32
        %add3A_222 = arith.addi %add3A_221, %mul3A_220 : i32
        %mul3A_223 = arith.constant 128 : i32
        %mul3A_224 = arith.muli %add3A_218, %mul3A_223 : i32
        %add3A_225 = arith.constant 0 : i32
        %add3A_226 = arith.addi %add3A_225, %mul3A_224 : i32
        %add3A_227 = arith.constant 0 : i32
        %add3A_228 = arith.addi %add3A_222, %add3A_227 : i32
        %get3A = arith.index_cast %add3A_228 : i32 to index
        %get3A_229 = tpu.vector_load %arg10[%get3A] {strides = array<i32>} : memref<16384xi32, #tpu.memory_space<vmem>>, vector<16xi32>,
        %add3A_230 = arith.constant 16 : i32
        %add3A_231 = arith.addi %add3A_222, %add3A_230 : i32
        %get3A_232 = arith.index_cast %add3A_231 : i32 to index
        %get3A_233 = tpu.vector_load %arg10[%get3A_232] {strides = array<i32>} : memref<16384xi32, #tpu.memory_space<vmem>>, vector<16xi32>,
        %add3A_234 = arith.constant 32 : i32
        %add3A_235 = arith.addi %add3A_222, %add3A_234 : i32
        %get3A_236 = arith.index_cast %add3A_235 : i32 to index
        %get3A_237 = tpu.vector_load %arg10[%get3A_236] {strides = array<i32>} : memref<16384xi32, #tpu.memory_space<vmem>>, vector<16xi32>,
        %add3A_238 = arith.constant 48 : i32
        %add3A_239 = arith.addi %add3A_222, %add3A_238 : i32
        %get3A_240 = arith.index_cast %add3A_239 : i32 to index
        %get3A_241 = tpu.vector_load %arg10[%get3A_240] {strides = array<i32>} : memref<16384xi32, #tpu.memory_space<vmem>>, vector<16xi32>,
        %add3A_242 = arith.constant 64 : i32
        %add3A_243 = arith.addi %add3A_222, %add3A_242 : i32
        %get3A_244 = arith.index_cast %add3A_243 : i32 to index
        %get3A_245 = tpu.vector_load %arg10[%get3A_244] {strides = array<i32>} : memref<16384xi32, #tpu.memory_space<vmem>>, vector<16xi32>,
        %add3A_246 = arith.constant 80 : i32
        %add3A_247 = arith.addi %add3A_222, %add3A_246 : i32
        %get3A_248 = arith.index_cast %add3A_247 : i32 to index
        %get3A_249 = tpu.vector_load %arg10[%get3A_248] {strides = array<i32>} : memref<16384xi32, #tpu.memory_space<vmem>>, vector<16xi32>,
        %add3A_250 = arith.constant 96 : i32
        %add3A_251 = arith.addi %add3A_222, %add3A_250 : i32
        %get3A_252 = arith.index_cast %add3A_251 : i32 to index
        %get3A_253 = tpu.vector_load %arg10[%get3A_252] {strides = array<i32>} : memref<16384xi32, #tpu.memory_space<vmem>>, vector<16xi32>,
        %add3A_254 = arith.constant 112 : i32
        %add3A_255 = arith.addi %add3A_222, %add3A_254 : i32
        %get3A_256 = arith.index_cast %add3A_255 : i32 to index
        %get3A_257 = tpu.vector_load %arg10[%get3A_256] {strides = array<i32>} : memref<16384xi32, #tpu.memory_space<vmem>>, vector<16xi32>,
        %gather3A = tpu.vector_load_idx %arg9[%get3A_229] : memref<100000xf32, #tpu.memory_space<vmem>>[vector<16xi32>], vector<16xf32>,
        %gather3A_258 = tpu.vector_load_idx %arg9[%get3A_233] : memref<100000xf32, #tpu.memory_space<vmem>>[vector<16xi32>], vector<16xf32>,
        %gather3A_259 = tpu.vector_load_idx %arg9[%get3A_237] : memref<100000xf32, #tpu.memory_space<vmem>>[vector<16xi32>], vector<16xf32>,
        %gather3A_260 = tpu.vector_load_idx %arg9[%get3A_241] : memref<100000xf32, #tpu.memory_space<vmem>>[vector<16xi32>], vector<16xf32>,
        %gather3A_261 = tpu.vector_load_idx %arg9[%get3A_245] : memref<100000xf32, #tpu.memory_space<vmem>>[vector<16xi32>], vector<16xf32>,
        %gather3A_262 = tpu.vector_load_idx %arg9[%get3A_249] : memref<100000xf32, #tpu.memory_space<vmem>>[vector<16xi32>], vector<16xf32>,
        %gather3A_263 = tpu.vector_load_idx %arg9[%get3A_253] : memref<100000xf32, #tpu.memory_space<vmem>>[vector<16xi32>], vector<16xf32>,
        %gather3A_264 = tpu.vector_load_idx %arg9[%get3A_257] : memref<100000xf32, #tpu.memory_space<vmem>>[vector<16xi32>], vector<16xf32>,
        %add3A_265 = arith.constant 0 : i32
        %add3A_266 = arith.addi %add3A_226, %add3A_265 : i32
        %swap3A = arith.index_cast %add3A_266 : i32 to index
        %swap3A_267 = tpu.vector_load %arg11[%swap3A] {strides = array<i32>} : memref<8192xf32, #tpu.memory_space<vmem>>, vector<16xf32>,
        tpu.vector_store %arg11[%swap3A], %gather3A {strides = array<i32>} : memref<8192xf32, #tpu.memory_space<vmem>>, vector<16xf32>,
        %add3A_268 = arith.constant 16 : i32
        %add3A_269 = arith.addi %add3A_226, %add3A_268 : i32
        %swap3A_270 = arith.index_cast %add3A_269 : i32 to index
        %swap3A_271 = tpu.vector_load %arg11[%swap3A_270] {strides = array<i32>} : memref<8192xf32, #tpu.memory_space<vmem>>, vector<16xf32>,
        tpu.vector_store %arg11[%swap3A_270], %gather3A_258 {strides = array<i32>} : memref<8192xf32, #tpu.memory_space<vmem>>, vector<16xf32>,
        %add3A_272 = arith.constant 32 : i32
        %add3A_273 = arith.addi %add3A_226, %add3A_272 : i32
        %swap3A_274 = arith.index_cast %add3A_273 : i32 to index
        %swap3A_275 = tpu.vector_load %arg11[%swap3A_274] {strides = array<i32>} : memref<8192xf32, #tpu.memory_space<vmem>>, vector<16xf32>,
        tpu.vector_store %arg11[%swap3A_274], %gather3A_259 {strides = array<i32>} : memref<8192xf32, #tpu.memory_space<vmem>>, vector<16xf32>,
        %add3A_276 = arith.constant 48 : i32
        %add3A_277 = arith.addi %add3A_226, %add3A_276 : i32
        %swap3A_278 = arith.index_cast %add3A_277 : i32 to index
        %swap3A_279 = tpu.vector_load %arg11[%swap3A_278] {strides = array<i32>} : memref<8192xf32, #tpu.memory_space<vmem>>, vector<16xf32>,
        tpu.vector_store %arg11[%swap3A_278], %gather3A_260 {strides = array<i32>} : memref<8192xf32, #tpu.memory_space<vmem>>, vector<16xf32>,
        %add3A_280 = arith.constant 64 : i32
        %add3A_281 = arith.addi %add3A_226, %add3A_280 : i32
        %swap3A_282 = arith.index_cast %add3A_281 : i32 to index
        %swap3A_283 = tpu.vector_load %arg11[%swap3A_282] {strides = array<i32>} : memref<8192xf32, #tpu.memory_space<vmem>>, vector<16xf32>,
        tpu.vector_store %arg11[%swap3A_282], %gather3A_261 {strides = array<i32>} : memref<8192xf32, #tpu.memory_space<vmem>>, vector<16xf32>,
        %add3A_284 = arith.constant 80 : i32
        %add3A_285 = arith.addi %add3A_226, %add3A_284 : i32
        %swap3A_286 = arith.index_cast %add3A_285 : i32 to index
        %swap3A_287 = tpu.vector_load %arg11[%swap3A_286] {strides = array<i32>} : memref<8192xf32, #tpu.memory_space<vmem>>, vector<16xf32>,
        tpu.vector_store %arg11[%swap3A_286], %gather3A_262 {strides = array<i32>} : memref<8192xf32, #tpu.memory_space<vmem>>, vector<16xf32>,
        %add3A_288 = arith.constant 96 : i32
        %add3A_289 = arith.addi %add3A_226, %add3A_288 : i32
        %swap3A_290 = arith.index_cast %add3A_289 : i32 to index
        %swap3A_291 = tpu.vector_load %arg11[%swap3A_290] {strides = array<i32>} : memref<8192xf32, #tpu.memory_space<vmem>>, vector<16xf32>,
        tpu.vector_store %arg11[%swap3A_290], %gather3A_263 {strides = array<i32>} : memref<8192xf32, #tpu.memory_space<vmem>>, vector<16xf32>,
        %add3A_292 = arith.constant 112 : i32
        %add3A_293 = arith.addi %add3A_226, %add3A_292 : i32
        %swap3A_294 = arith.index_cast %add3A_293 : i32 to index
        %swap3A_295 = tpu.vector_load %arg11[%swap3A_294] {strides = array<i32>} : memref<8192xf32, #tpu.memory_space<vmem>>, vector<16xf32>,
        tpu.vector_store %arg11[%swap3A_294], %gather3A_264 {strides = array<i32>} : memref<8192xf32, #tpu.memory_space<vmem>>, vector<16xf32>,
      }
      %scan3A_154 = arith.constant 32 : i32
      %add3A_155 = arith.constant 0 : i32
      %add3A_156 = arith.addi %add3A_155, %arg1 : i32
      %dma_start3A_157 = arith.constant 0 : i32
      %dma_start3A_158 = tpu.memref_slice %arg11[%dma_start3A_157] : memref<8192xf32, #tpu.memory_space<vmem>> -> memref<4096xf32, #tpu.memory_space<vmem>>
      %dma_start3A_159 = arith.constant 8192 : i32
      %dma_start3A_160 = tpu.memref_slice %arg8[%add3A_156, %dma_start3A_159] : memref<48x16384xf32, #tpu.memory_space<hbm>> -> memref<1x4096xf32, #tpu.memory_space<hbm>>
      %dma_start3A_161 = tpu.memref_squeeze %dma_start3A_160 : memref<1x4096xf32, #tpu.memory_space<hbm>> -> memref<4096xf32, #tpu.memory_space<hbm>>
      %dma_start3A_162 = arith.constant 8192 : i32
      %dma_start3A_163 = tpu.memref_slice %arg8[%add3A_156, %dma_start3A_162] : memref<48x16384xf32, #tpu.memory_space<hbm>> -> memref<1x4096xf32, #tpu.memory_space<hbm>>
      %dma_start3A_164 = tpu.memref_squeeze %dma_start3A_163 : memref<1x4096xf32, #tpu.memory_space<hbm>> -> memref<4096xf32, #tpu.memory_space<hbm>>
      %dma_start3A_165 = arith.constant 0 : i32
      %dma_start3A_166 = tpu.memref_slice %arg11[%dma_start3A_165] : memref<8192xf32, #tpu.memory_space<vmem>> -> memref<4096xf32, #tpu.memory_space<vmem>>
      tpu.enqueue_dma source(%dma_start3A_166 : memref<4096xf32, #tpu.memory_space<vmem>>) target(%dma_start3A_164 : memref<4096xf32, #tpu.memory_space<hbm>>) target_semaphore(%arg14 : memref<!tpu.dma_semaphore, #tpu.memory_space<semaphore_mem>>)
      %dma_wait3A_167 = arith.constant 4096 : i32
      %dma_wait3A_168 = tpu.memref_slice %arg11[%dma_wait3A_167] : memref<8192xf32, #tpu.memory_space<vmem>> -> memref<4096xf32, #tpu.memory_space<vmem>>
      %dma_wait3A_169 = arith.constant 4096 : i32
      %dma_wait3A_170 = tpu.memref_slice %arg8[%add3A_129, %dma_wait3A_169] : memref<48x16384xf32, #tpu.memory_space<hbm>> -> memref<1x4096xf32, #tpu.memory_space<hbm>>
      %dma_wait3A_171 = tpu.memref_squeeze %dma_wait3A_170 : memref<1x4096xf32, #tpu.memory_space<hbm>> -> memref<4096xf32, #tpu.memory_space<hbm>>
      %dma_wait3A_172 = arith.constant 4096 : i32
      %dma_wait3A_173 = tpu.memref_slice %arg8[%add3A_129, %dma_wait3A_172] : memref<48x16384xf32, #tpu.memory_space<hbm>> -> memref<1x4096xf32, #tpu.memory_space<hbm>>
      %dma_wait3A_174 = tpu.memref_squeeze %dma_wait3A_173 : memref<1x4096xf32, #tpu.memory_space<hbm>> -> memref<4096xf32, #tpu.memory_space<hbm>>
      %dma_wait3A_175 = arith.constant 4096 : i32
      %dma_wait3A_176 = tpu.memref_slice %arg11[%dma_wait3A_175] : memref<8192xf32, #tpu.memory_space<vmem>> -> memref<4096xf32, #tpu.memory_space<vmem>>
      tpu.wait_dma2 semaphore(%arg14 : memref<!tpu.dma_semaphore, #tpu.memory_space<semaphore_mem>>) src(%dma_wait3A_176 : memref<4096xf32, #tpu.memory_space<vmem>>) dst(%dma_wait3A_174 : memref<4096xf32, #tpu.memory_space<hbm>>)
      %scan3A_177 = arith.constant 0 : i32
      %scan3A_178 = arith.constant 32 : i32
      %scan3A_179 = arith.addi %scan3A_177, %scan3A_178 : i32
      %scan3A_180 = arith.constant 1 : i32
      scf.for %scan3A_214 = %scan3A_177 to %scan3A_179 step %scan3A_180  : i32 {
        %mul3A_215 = arith.constant 1 : i32
        %mul3A_216 = arith.muli %scan3A_214, %mul3A_215 : i32
        %add3A_217 = arith.constant 0 : i32
        %add3A_218 = arith.addi %add3A_217, %mul3A_216 : i32
        %mul3A_219 = arith.constant 128 : i32
        %mul3A_220 = arith.muli %add3A_218, %mul3A_219 : i32
        %add3A_221 = arith.constant 12288 : i32
        %add3A_222 = arith.addi %add3A_221, %mul3A_220 : i32
        %mul3A_223 = arith.constant 128 : i32
        %mul3A_224 = arith.muli %add3A_218, %mul3A_223 : i32
        %add3A_225 = arith.constant 4096 : i32
        %add3A_226 = arith.addi %add3A_225, %mul3A_224 : i32
        %add3A_227 = arith.constant 0 : i32
        %add3A_228 = arith.addi %add3A_222, %add3A_227 : i32
        %get3A = arith.index_cast %add3A_228 : i32 to index
        %get3A_229 = tpu.vector_load %arg10[%get3A] {strides = array<i32>} : memref<16384xi32, #tpu.memory_space<vmem>>, vector<16xi32>,
        %add3A_230 = arith.constant 16 : i32
        %add3A_231 = arith.addi %add3A_222, %add3A_230 : i32
        %get3A_232 = arith.index_cast %add3A_231 : i32 to index
        %get3A_233 = tpu.vector_load %arg10[%get3A_232] {strides = array<i32>} : memref<16384xi32, #tpu.memory_space<vmem>>, vector<16xi32>,
        %add3A_234 = arith.constant 32 : i32
        %add3A_235 = arith.addi %add3A_222, %add3A_234 : i32
        %get3A_236 = arith.index_cast %add3A_235 : i32 to index
        %get3A_237 = tpu.vector_load %arg10[%get3A_236] {strides = array<i32>} : memref<16384xi32, #tpu.memory_space<vmem>>, vector<16xi32>,
        %add3A_238 = arith.constant 48 : i32
        %add3A_239 = arith.addi %add3A_222, %add3A_238 : i32
        %get3A_240 = arith.index_cast %add3A_239 : i32 to index
        %get3A_241 = tpu.vector_load %arg10[%get3A_240] {strides = array<i32>} : memref<16384xi32, #tpu.memory_space<vmem>>, vector<16xi32>,
        %add3A_242 = arith.constant 64 : i32
        %add3A_243 = arith.addi %add3A_222, %add3A_242 : i32
        %get3A_244 = arith.index_cast %add3A_243 : i32 to index
        %get3A_245 = tpu.vector_load %arg10[%get3A_244] {strides = array<i32>} : memref<16384xi32, #tpu.memory_space<vmem>>, vector<16xi32>,
        %add3A_246 = arith.constant 80 : i32
        %add3A_247 = arith.addi %add3A_222, %add3A_246 : i32
        %get3A_248 = arith.index_cast %add3A_247 : i32 to index
        %get3A_249 = tpu.vector_load %arg10[%get3A_248] {strides = array<i32>} : memref<16384xi32, #tpu.memory_space<vmem>>, vector<16xi32>,
        %add3A_250 = arith.constant 96 : i32
        %add3A_251 = arith.addi %add3A_222, %add3A_250 : i32
        %get3A_252 = arith.index_cast %add3A_251 : i32 to index
        %get3A_253 = tpu.vector_load %arg10[%get3A_252] {strides = array<i32>} : memref<16384xi32, #tpu.memory_space<vmem>>, vector<16xi32>,
        %add3A_254 = arith.constant 112 : i32
        %add3A_255 = arith.addi %add3A_222, %add3A_254 : i32
        %get3A_256 = arith.index_cast %add3A_255 : i32 to index
        %get3A_257 = tpu.vector_load %arg10[%get3A_256] {strides = array<i32>} : memref<16384xi32, #tpu.memory_space<vmem>>, vector<16xi32>,
        %gather3A = tpu.vector_load_idx %arg9[%get3A_229] : memref<100000xf32, #tpu.memory_space<vmem>>[vector<16xi32>], vector<16xf32>,
        %gather3A_258 = tpu.vector_load_idx %arg9[%get3A_233] : memref<100000xf32, #tpu.memory_space<vmem>>[vector<16xi32>], vector<16xf32>,
        %gather3A_259 = tpu.vector_load_idx %arg9[%get3A_237] : memref<100000xf32, #tpu.memory_space<vmem>>[vector<16xi32>], vector<16xf32>,
        %gather3A_260 = tpu.vector_load_idx %arg9[%get3A_241] : memref<100000xf32, #tpu.memory_space<vmem>>[vector<16xi32>], vector<16xf32>,
        %gather3A_261 = tpu.vector_load_idx %arg9[%get3A_245] : memref<100000xf32, #tpu.memory_space<vmem>>[vector<16xi32>], vector<16xf32>,
        %gather3A_262 = tpu.vector_load_idx %arg9[%get3A_249] : memref<100000xf32, #tpu.memory_space<vmem>>[vector<16xi32>], vector<16xf32>,
        %gather3A_263 = tpu.vector_load_idx %arg9[%get3A_253] : memref<100000xf32, #tpu.memory_space<vmem>>[vector<16xi32>], vector<16xf32>,
        %gather3A_264 = tpu.vector_load_idx %arg9[%get3A_257] : memref<100000xf32, #tpu.memory_space<vmem>>[vector<16xi32>], vector<16xf32>,
        %add3A_265 = arith.constant 0 : i32
        %add3A_266 = arith.addi %add3A_226, %add3A_265 : i32
        %swap3A = arith.index_cast %add3A_266 : i32 to index
        %swap3A_267 = tpu.vector_load %arg11[%swap3A] {strides = array<i32>} : memref<8192xf32, #tpu.memory_space<vmem>>, vector<16xf32>,
        tpu.vector_store %arg11[%swap3A], %gather3A {strides = array<i32>} : memref<8192xf32, #tpu.memory_space<vmem>>, vector<16xf32>,
        %add3A_268 = arith.constant 16 : i32
        %add3A_269 = arith.addi %add3A_226, %add3A_268 : i32
        %swap3A_270 = arith.index_cast %add3A_269 : i32 to index
        %swap3A_271 = tpu.vector_load %arg11[%swap3A_270] {strides = array<i32>} : memref<8192xf32, #tpu.memory_space<vmem>>, vector<16xf32>,
        tpu.vector_store %arg11[%swap3A_270], %gather3A_258 {strides = array<i32>} : memref<8192xf32, #tpu.memory_space<vmem>>, vector<16xf32>,
        %add3A_272 = arith.constant 32 : i32
        %add3A_273 = arith.addi %add3A_226, %add3A_272 : i32
        %swap3A_274 = arith.index_cast %add3A_273 : i32 to index
        %swap3A_275 = tpu.vector_load %arg11[%swap3A_274] {strides = array<i32>} : memref<8192xf32, #tpu.memory_space<vmem>>, vector<16xf32>,
        tpu.vector_store %arg11[%swap3A_274], %gather3A_259 {strides = array<i32>} : memref<8192xf32, #tpu.memory_space<vmem>>, vector<16xf32>,
        %add3A_276 = arith.constant 48 : i32
        %add3A_277 = arith.addi %add3A_226, %add3A_276 : i32
        %swap3A_278 = arith.index_cast %add3A_277 : i32 to index
        %swap3A_279 = tpu.vector_load %arg11[%swap3A_278] {strides = array<i32>} : memref<8192xf32, #tpu.memory_space<vmem>>, vector<16xf32>,
        tpu.vector_store %arg11[%swap3A_278], %gather3A_260 {strides = array<i32>} : memref<8192xf32, #tpu.memory_space<vmem>>, vector<16xf32>,
        %add3A_280 = arith.constant 64 : i32
        %add3A_281 = arith.addi %add3A_226, %add3A_280 : i32
        %swap3A_282 = arith.index_cast %add3A_281 : i32 to index
        %swap3A_283 = tpu.vector_load %arg11[%swap3A_282] {strides = array<i32>} : memref<8192xf32, #tpu.memory_space<vmem>>, vector<16xf32>,
        tpu.vector_store %arg11[%swap3A_282], %gather3A_261 {strides = array<i32>} : memref<8192xf32, #tpu.memory_space<vmem>>, vector<16xf32>,
        %add3A_284 = arith.constant 80 : i32
        %add3A_285 = arith.addi %add3A_226, %add3A_284 : i32
        %swap3A_286 = arith.index_cast %add3A_285 : i32 to index
        %swap3A_287 = tpu.vector_load %arg11[%swap3A_286] {strides = array<i32>} : memref<8192xf32, #tpu.memory_space<vmem>>, vector<16xf32>,
        tpu.vector_store %arg11[%swap3A_286], %gather3A_262 {strides = array<i32>} : memref<8192xf32, #tpu.memory_space<vmem>>, vector<16xf32>,
        %add3A_288 = arith.constant 96 : i32
        %add3A_289 = arith.addi %add3A_226, %add3A_288 : i32
        %swap3A_290 = arith.index_cast %add3A_289 : i32 to index
        %swap3A_291 = tpu.vector_load %arg11[%swap3A_290] {strides = array<i32>} : memref<8192xf32, #tpu.memory_space<vmem>>, vector<16xf32>,
        tpu.vector_store %arg11[%swap3A_290], %gather3A_263 {strides = array<i32>} : memref<8192xf32, #tpu.memory_space<vmem>>, vector<16xf32>,
        %add3A_292 = arith.constant 112 : i32
        %add3A_293 = arith.addi %add3A_226, %add3A_292 : i32
        %swap3A_294 = arith.index_cast %add3A_293 : i32 to index
        %swap3A_295 = tpu.vector_load %arg11[%swap3A_294] {strides = array<i32>} : memref<8192xf32, #tpu.memory_space<vmem>>, vector<16xf32>,
        tpu.vector_store %arg11[%swap3A_294], %gather3A_264 {strides = array<i32>} : memref<8192xf32, #tpu.memory_space<vmem>>, vector<16xf32>,
      }
      %scan3A_181 = arith.constant 32 : i32
      %add3A_182 = arith.constant 0 : i32
      %add3A_183 = arith.addi %add3A_182, %arg1 : i32
      %dma_start3A_184 = arith.constant 4096 : i32
      %dma_start3A_185 = tpu.memref_slice %arg11[%dma_start3A_184] : memref<8192xf32, #tpu.memory_space<vmem>> -> memref<4096xf32, #tpu.memory_space<vmem>>
      %dma_start3A_186 = arith.constant 12288 : i32
      %dma_start3A_187 = tpu.memref_slice %arg8[%add3A_183, %dma_start3A_186] : memref<48x16384xf32, #tpu.memory_space<hbm>> -> memref<1x4096xf32, #tpu.memory_space<hbm>>
      %dma_start3A_188 = tpu.memref_squeeze %dma_start3A_187 : memref<1x4096xf32, #tpu.memory_space<hbm>> -> memref<4096xf32, #tpu.memory_space<hbm>>
      %dma_start3A_189 = arith.constant 12288 : i32
      %dma_start3A_190 = tpu.memref_slice %arg8[%add3A_183, %dma_start3A_189] : memref<48x16384xf32, #tpu.memory_space<hbm>> -> memref<1x4096xf32, #tpu.memory_space<hbm>>
      %dma_start3A_191 = tpu.memref_squeeze %dma_start3A_190 : memref<1x4096xf32, #tpu.memory_space<hbm>> -> memref<4096xf32, #tpu.memory_space<hbm>>
      %dma_start3A_192 = arith.constant 4096 : i32
      %dma_start3A_193 = tpu.memref_slice %arg11[%dma_start3A_192] : memref<8192xf32, #tpu.memory_space<vmem>> -> memref<4096xf32, #tpu.memory_space<vmem>>
      tpu.enqueue_dma source(%dma_start3A_193 : memref<4096xf32, #tpu.memory_space<vmem>>) target(%dma_start3A_191 : memref<4096xf32, #tpu.memory_space<hbm>>) target_semaphore(%arg14 : memref<!tpu.dma_semaphore, #tpu.memory_space<semaphore_mem>>)
      %dma_wait3A_194 = arith.constant 0 : i32
      %dma_wait3A_195 = tpu.memref_slice %arg11[%dma_wait3A_194] : memref<8192xf32, #tpu.memory_space<vmem>> -> memref<4096xf32, #tpu.memory_space<vmem>>
      %dma_wait3A_196 = arith.constant 8192 : i32
      %dma_wait3A_197 = tpu.memref_slice %arg8[%add3A_156, %dma_wait3A_196] : memref<48x16384xf32, #tpu.memory_space<hbm>> -> memref<1x4096xf32, #tpu.memory_space<hbm>>
      %dma_wait3A_198 = tpu.memref_squeeze %dma_wait3A_197 : memref<1x4096xf32, #tpu.memory_space<hbm>> -> memref<4096xf32, #tpu.memory_space<hbm>>
      %dma_wait3A_199 = arith.constant 8192 : i32
      %dma_wait3A_200 = tpu.memref_slice %arg8[%add3A_156, %dma_wait3A_199] : memref<48x16384xf32, #tpu.memory_space<hbm>> -> memref<1x4096xf32, #tpu.memory_space<hbm>>
      %dma_wait3A_201 = tpu.memref_squeeze %dma_wait3A_200 : memref<1x4096xf32, #tpu.memory_space<hbm>> -> memref<4096xf32, #tpu.memory_space<hbm>>
      %dma_wait3A_202 = arith.constant 0 : i32
      %dma_wait3A_203 = tpu.memref_slice %arg11[%dma_wait3A_202] : memref<8192xf32, #tpu.memory_space<vmem>> -> memref<4096xf32, #tpu.memory_space<vmem>>
      tpu.wait_dma2 semaphore(%arg14 : memref<!tpu.dma_semaphore, #tpu.memory_space<semaphore_mem>>) src(%dma_wait3A_203 : memref<4096xf32, #tpu.memory_space<vmem>>) dst(%dma_wait3A_201 : memref<4096xf32, #tpu.memory_space<hbm>>)
      %dma_wait3A_204 = arith.constant 4096 : i32
      %dma_wait3A_205 = tpu.memref_slice %arg11[%dma_wait3A_204] : memref<8192xf32, #tpu.memory_space<vmem>> -> memref<4096xf32, #tpu.memory_space<vmem>>
      %dma_wait3A_206 = arith.constant 12288 : i32
      %dma_wait3A_207 = tpu.memref_slice %arg8[%add3A_183, %dma_wait3A_206] : memref<48x16384xf32, #tpu.memory_space<hbm>> -> memref<1x4096xf32, #tpu.memory_space<hbm>>
      %dma_wait3A_208 = tpu.memref_squeeze %dma_wait3A_207 : memref<1x4096xf32, #tpu.memory_space<hbm>> -> memref<4096xf32, #tpu.memory_space<hbm>>
      %dma_wait3A_209 = arith.constant 12288 : i32
      %dma_wait3A_210 = tpu.memref_slice %arg8[%add3A_183, %dma_wait3A_209] : memref<48x16384xf32, #tpu.memory_space<hbm>> -> memref<1x4096xf32, #tpu.memory_space<hbm>>
      %dma_wait3A_211 = tpu.memref_squeeze %dma_wait3A_210 : memref<1x4096xf32, #tpu.memory_space<hbm>> -> memref<4096xf32, #tpu.memory_space<hbm>>
      %dma_wait3A_212 = arith.constant 4096 : i32
      %dma_wait3A_213 = tpu.memref_slice %arg11[%dma_wait3A_212] : memref<8192xf32, #tpu.memory_space<vmem>> -> memref<4096xf32, #tpu.memory_space<vmem>>
      tpu.wait_dma2 semaphore(%arg14 : memref<!tpu.dma_semaphore, #tpu.memory_space<semaphore_mem>>) src(%dma_wait3A_213 : memref<4096xf32, #tpu.memory_space<vmem>>) dst(%dma_wait3A_211 : memref<4096xf32, #tpu.memory_space<hbm>>)
    } else {
    }
    %eq3A_2 = arith.constant 1 : i32
    %eq3A_3 = arith.cmpi eq, %arg0, %eq3A_2 : i32
    %convert_element_type3A_4 = arith.extui %eq3A_3 : i1 to i32
    %cond3A_5 = arith.constant 0 : i32
    %cond3A_6 = arith.cmpi ne, %convert_element_type3A_4, %cond3A_5 : i32
    scf.if %cond3A_6 {
      %dma_start3A_78 = arith.constant 0 : i32
      %dma_start3A_79 = tpu.memref_slice %arg10[%dma_start3A_78] : memref<16384xi32, #tpu.memory_space<vmem>> -> memref<16384xi32, #tpu.memory_space<vmem>>
      %dma_start3A_80 = arith.constant 0 : i32
      %dma_start3A_81 = tpu.memref_slice %arg3[%dma_start3A_80] : memref<16384xi32, #tpu.memory_space<hbm>> -> memref<16384xi32, #tpu.memory_space<hbm>>
      %dma_start3A_82 = arith.constant 0 : i32
      %dma_start3A_83 = tpu.memref_slice %arg10[%dma_start3A_82] : memref<16384xi32, #tpu.memory_space<vmem>> -> memref<16384xi32, #tpu.memory_space<vmem>>
      %dma_start3A_84 = arith.constant 0 : i32
      %dma_start3A_85 = tpu.memref_slice %arg3[%dma_start3A_84] : memref<16384xi32, #tpu.memory_space<hbm>> -> memref<16384xi32, #tpu.memory_space<hbm>>
      tpu.enqueue_dma source(%dma_start3A_85 : memref<16384xi32, #tpu.memory_space<hbm>>) target(%dma_start3A_83 : memref<16384xi32, #tpu.memory_space<vmem>>) target_semaphore(%arg13 : memref<!tpu.dma_semaphore, #tpu.memory_space<semaphore_mem>>)
      %dma_start3A_86 = arith.constant 0 : i32
      %dma_start3A_87 = tpu.memref_slice %arg6[%arg1, %dma_start3A_86] : memref<16x100000xf32, #tpu.memory_space<hbm>> -> memref<1x100000xf32, #tpu.memory_space<hbm>>
      %dma_start3A_88 = tpu.memref_squeeze %dma_start3A_87 : memref<1x100000xf32, #tpu.memory_space<hbm>> -> memref<100000xf32, #tpu.memory_space<hbm>>
      %dma_start3A_89 = arith.constant 0 : i32
      %dma_start3A_90 = tpu.memref_slice %arg6[%arg1, %dma_start3A_89] : memref<16x100000xf32, #tpu.memory_space<hbm>> -> memref<1x100000xf32, #tpu.memory_space<hbm>>
      %dma_start3A_91 = tpu.memref_squeeze %dma_start3A_90 : memref<1x100000xf32, #tpu.memory_space<hbm>> -> memref<100000xf32, #tpu.memory_space<hbm>>
      tpu.enqueue_dma source(%dma_start3A_91 : memref<100000xf32, #tpu.memory_space<hbm>>) target(%arg9 : memref<100000xf32, #tpu.memory_space<vmem>>) target_semaphore(%arg12 : memref<!tpu.dma_semaphore, #tpu.memory_space<semaphore_mem>>)
      %dma_wait3A_92 = arith.constant 0 : i32
      %dma_wait3A_93 = tpu.memref_slice %arg10[%dma_wait3A_92] : memref<16384xi32, #tpu.memory_space<vmem>> -> memref<16384xi32, #tpu.memory_space<vmem>>
      %dma_wait3A_94 = arith.constant 0 : i32
      %dma_wait3A_95 = tpu.memref_slice %arg3[%dma_wait3A_94] : memref<16384xi32, #tpu.memory_space<hbm>> -> memref<16384xi32, #tpu.memory_space<hbm>>
      %dma_wait3A_96 = arith.constant 0 : i32
      %dma_wait3A_97 = tpu.memref_slice %arg10[%dma_wait3A_96] : memref<16384xi32, #tpu.memory_space<vmem>> -> memref<16384xi32, #tpu.memory_space<vmem>>
      %dma_wait3A_98 = arith.constant 0 : i32
      %dma_wait3A_99 = tpu.memref_slice %arg3[%dma_wait3A_98] : memref<16384xi32, #tpu.memory_space<hbm>> -> memref<16384xi32, #tpu.memory_space<hbm>>
      tpu.wait_dma2 semaphore(%arg13 : memref<!tpu.dma_semaphore, #tpu.memory_space<semaphore_mem>>) src(%dma_wait3A_99 : memref<16384xi32, #tpu.memory_space<hbm>>) dst(%dma_wait3A_97 : memref<16384xi32, #tpu.memory_space<vmem>>)
      %dma_wait3A_100 = arith.constant 0 : i32
      %dma_wait3A_101 = tpu.memref_slice %arg6[%arg1, %dma_wait3A_100] : memref<16x100000xf32, #tpu.memory_space<hbm>> -> memref<1x100000xf32, #tpu.memory_space<hbm>>
      %dma_wait3A_102 = tpu.memref_squeeze %dma_wait3A_101 : memref<1x100000xf32, #tpu.memory_space<hbm>> -> memref<100000xf32, #tpu.memory_space<hbm>>
      %dma_wait3A_103 = arith.constant 0 : i32
      %dma_wait3A_104 = tpu.memref_slice %arg6[%arg1, %dma_wait3A_103] : memref<16x100000xf32, #tpu.memory_space<hbm>> -> memref<1x100000xf32, #tpu.memory_space<hbm>>
      %dma_wait3A_105 = tpu.memref_squeeze %dma_wait3A_104 : memref<1x100000xf32, #tpu.memory_space<hbm>> -> memref<100000xf32, #tpu.memory_space<hbm>>
      tpu.wait_dma2 semaphore(%arg12 : memref<!tpu.dma_semaphore, #tpu.memory_space<semaphore_mem>>) src(%dma_wait3A_105 : memref<100000xf32, #tpu.memory_space<hbm>>) dst(%arg9 : memref<100000xf32, #tpu.memory_space<vmem>>)
      %scan3A_106 = arith.constant 0 : i32
      %scan3A_107 = arith.constant 32 : i32
      %scan3A_108 = arith.addi %scan3A_106, %scan3A_107 : i32
      %scan3A_109 = arith.constant 1 : i32
      scf.for %scan3A_214 = %scan3A_106 to %scan3A_108 step %scan3A_109  : i32 {
        %mul3A_215 = arith.constant 1 : i32
        %mul3A_216 = arith.muli %scan3A_214, %mul3A_215 : i32
        %add3A_217 = arith.constant 0 : i32
        %add3A_218 = arith.addi %add3A_217, %mul3A_216 : i32
        %mul3A_219 = arith.constant 128 : i32
        %mul3A_220 = arith.muli %add3A_218, %mul3A_219 : i32
        %add3A_221 = arith.constant 0 : i32
        %add3A_222 = arith.addi %add3A_221, %mul3A_220 : i32
        %mul3A_223 = arith.constant 128 : i32
        %mul3A_224 = arith.muli %add3A_218, %mul3A_223 : i32
        %add3A_225 = arith.constant 0 : i32
        %add3A_226 = arith.addi %add3A_225, %mul3A_224 : i32
        %add3A_227 = arith.constant 0 : i32
        %add3A_228 = arith.addi %add3A_222, %add3A_227 : i32
        %get3A = arith.index_cast %add3A_228 : i32 to index
        %get3A_229 = tpu.vector_load %arg10[%get3A] {strides = array<i32>} : memref<16384xi32, #tpu.memory_space<vmem>>, vector<16xi32>,
        %add3A_230 = arith.constant 16 : i32
        %add3A_231 = arith.addi %add3A_222, %add3A_230 : i32
        %get3A_232 = arith.index_cast %add3A_231 : i32 to index
        %get3A_233 = tpu.vector_load %arg10[%get3A_232] {strides = array<i32>} : memref<16384xi32, #tpu.memory_space<vmem>>, vector<16xi32>,
        %add3A_234 = arith.constant 32 : i32
        %add3A_235 = arith.addi %add3A_222, %add3A_234 : i32
        %get3A_236 = arith.index_cast %add3A_235 : i32 to index
        %get3A_237 = tpu.vector_load %arg10[%get3A_236] {strides = array<i32>} : memref<16384xi32, #tpu.memory_space<vmem>>, vector<16xi32>,
        %add3A_238 = arith.constant 48 : i32
        %add3A_239 = arith.addi %add3A_222, %add3A_238 : i32
        %get3A_240 = arith.index_cast %add3A_239 : i32 to index
        %get3A_241 = tpu.vector_load %arg10[%get3A_240] {strides = array<i32>} : memref<16384xi32, #tpu.memory_space<vmem>>, vector<16xi32>,
        %add3A_242 = arith.constant 64 : i32
        %add3A_243 = arith.addi %add3A_222, %add3A_242 : i32
        %get3A_244 = arith.index_cast %add3A_243 : i32 to index
        %get3A_245 = tpu.vector_load %arg10[%get3A_244] {strides = array<i32>} : memref<16384xi32, #tpu.memory_space<vmem>>, vector<16xi32>,
        %add3A_246 = arith.constant 80 : i32
        %add3A_247 = arith.addi %add3A_222, %add3A_246 : i32
        %get3A_248 = arith.index_cast %add3A_247 : i32 to index
        %get3A_249 = tpu.vector_load %arg10[%get3A_248] {strides = array<i32>} : memref<16384xi32, #tpu.memory_space<vmem>>, vector<16xi32>,
        %add3A_250 = arith.constant 96 : i32
        %add3A_251 = arith.addi %add3A_222, %add3A_250 : i32
        %get3A_252 = arith.index_cast %add3A_251 : i32 to index
        %get3A_253 = tpu.vector_load %arg10[%get3A_252] {strides = array<i32>} : memref<16384xi32, #tpu.memory_space<vmem>>, vector<16xi32>,
        %add3A_254 = arith.constant 112 : i32
        %add3A_255 = arith.addi %add3A_222, %add3A_254 : i32
        %get3A_256 = arith.index_cast %add3A_255 : i32 to index
        %get3A_257 = tpu.vector_load %arg10[%get3A_256] {strides = array<i32>} : memref<16384xi32, #tpu.memory_space<vmem>>, vector<16xi32>,
        %gather3A = tpu.vector_load_idx %arg9[%get3A_229] : memref<100000xf32, #tpu.memory_space<vmem>>[vector<16xi32>], vector<16xf32>,
        %gather3A_258 = tpu.vector_load_idx %arg9[%get3A_233] : memref<100000xf32, #tpu.memory_space<vmem>>[vector<16xi32>], vector<16xf32>,
        %gather3A_259 = tpu.vector_load_idx %arg9[%get3A_237] : memref<100000xf32, #tpu.memory_space<vmem>>[vector<16xi32>], vector<16xf32>,
        %gather3A_260 = tpu.vector_load_idx %arg9[%get3A_241] : memref<100000xf32, #tpu.memory_space<vmem>>[vector<16xi32>], vector<16xf32>,
        %gather3A_261 = tpu.vector_load_idx %arg9[%get3A_245] : memref<100000xf32, #tpu.memory_space<vmem>>[vector<16xi32>], vector<16xf32>,
        %gather3A_262 = tpu.vector_load_idx %arg9[%get3A_249] : memref<100000xf32, #tpu.memory_space<vmem>>[vector<16xi32>], vector<16xf32>,
        %gather3A_263 = tpu.vector_load_idx %arg9[%get3A_253] : memref<100000xf32, #tpu.memory_space<vmem>>[vector<16xi32>], vector<16xf32>,
        %gather3A_264 = tpu.vector_load_idx %arg9[%get3A_257] : memref<100000xf32, #tpu.memory_space<vmem>>[vector<16xi32>], vector<16xf32>,
        %add3A_265 = arith.constant 0 : i32
        %add3A_266 = arith.addi %add3A_226, %add3A_265 : i32
        %swap3A = arith.index_cast %add3A_266 : i32 to index
        %swap3A_267 = tpu.vector_load %arg11[%swap3A] {strides = array<i32>} : memref<8192xf32, #tpu.memory_space<vmem>>, vector<16xf32>,
        tpu.vector_store %arg11[%swap3A], %gather3A {strides = array<i32>} : memref<8192xf32, #tpu.memory_space<vmem>>, vector<16xf32>,
        %add3A_268 = arith.constant 16 : i32
        %add3A_269 = arith.addi %add3A_226, %add3A_268 : i32
        %swap3A_270 = arith.index_cast %add3A_269 : i32 to index
        %swap3A_271 = tpu.vector_load %arg11[%swap3A_270] {strides = array<i32>} : memref<8192xf32, #tpu.memory_space<vmem>>, vector<16xf32>,
        tpu.vector_store %arg11[%swap3A_270], %gather3A_258 {strides = array<i32>} : memref<8192xf32, #tpu.memory_space<vmem>>, vector<16xf32>,
        %add3A_272 = arith.constant 32 : i32
        %add3A_273 = arith.addi %add3A_226, %add3A_272 : i32
        %swap3A_274 = arith.index_cast %add3A_273 : i32 to index
        %swap3A_275 = tpu.vector_load %arg11[%swap3A_274] {strides = array<i32>} : memref<8192xf32, #tpu.memory_space<vmem>>, vector<16xf32>,
        tpu.vector_store %arg11[%swap3A_274], %gather3A_259 {strides = array<i32>} : memref<8192xf32, #tpu.memory_space<vmem>>, vector<16xf32>,
        %add3A_276 = arith.constant 48 : i32
        %add3A_277 = arith.addi %add3A_226, %add3A_276 : i32
        %swap3A_278 = arith.index_cast %add3A_277 : i32 to index
        %swap3A_279 = tpu.vector_load %arg11[%swap3A_278] {strides = array<i32>} : memref<8192xf32, #tpu.memory_space<vmem>>, vector<16xf32>,
        tpu.vector_store %arg11[%swap3A_278], %gather3A_260 {strides = array<i32>} : memref<8192xf32, #tpu.memory_space<vmem>>, vector<16xf32>,
        %add3A_280 = arith.constant 64 : i32
        %add3A_281 = arith.addi %add3A_226, %add3A_280 : i32
        %swap3A_282 = arith.index_cast %add3A_281 : i32 to index
        %swap3A_283 = tpu.vector_load %arg11[%swap3A_282] {strides = array<i32>} : memref<8192xf32, #tpu.memory_space<vmem>>, vector<16xf32>,
        tpu.vector_store %arg11[%swap3A_282], %gather3A_261 {strides = array<i32>} : memref<8192xf32, #tpu.memory_space<vmem>>, vector<16xf32>,
        %add3A_284 = arith.constant 80 : i32
        %add3A_285 = arith.addi %add3A_226, %add3A_284 : i32
        %swap3A_286 = arith.index_cast %add3A_285 : i32 to index
        %swap3A_287 = tpu.vector_load %arg11[%swap3A_286] {strides = array<i32>} : memref<8192xf32, #tpu.memory_space<vmem>>, vector<16xf32>,
        tpu.vector_store %arg11[%swap3A_286], %gather3A_262 {strides = array<i32>} : memref<8192xf32, #tpu.memory_space<vmem>>, vector<16xf32>,
        %add3A_288 = arith.constant 96 : i32
        %add3A_289 = arith.addi %add3A_226, %add3A_288 : i32
        %swap3A_290 = arith.index_cast %add3A_289 : i32 to index
        %swap3A_291 = tpu.vector_load %arg11[%swap3A_290] {strides = array<i32>} : memref<8192xf32, #tpu.memory_space<vmem>>, vector<16xf32>,
        tpu.vector_store %arg11[%swap3A_290], %gather3A_263 {strides = array<i32>} : memref<8192xf32, #tpu.memory_space<vmem>>, vector<16xf32>,
        %add3A_292 = arith.constant 112 : i32
        %add3A_293 = arith.addi %add3A_226, %add3A_292 : i32
        %swap3A_294 = arith.index_cast %add3A_293 : i32 to index
        %swap3A_295 = tpu.vector_load %arg11[%swap3A_294] {strides = array<i32>} : memref<8192xf32, #tpu.memory_space<vmem>>, vector<16xf32>,
        tpu.vector_store %arg11[%swap3A_294], %gather3A_264 {strides = array<i32>} : memref<8192xf32, #tpu.memory_space<vmem>>, vector<16xf32>,
      }
      %scan3A_110 = arith.constant 32 : i32
      %add3A_111 = arith.constant 16 : i32
      %add3A_112 = arith.addi %add3A_111, %arg1 : i32
      %dma_start3A_113 = arith.constant 0 : i32
      %dma_start3A_114 = tpu.memref_slice %arg11[%dma_start3A_113] : memref<8192xf32, #tpu.memory_space<vmem>> -> memref<4096xf32, #tpu.memory_space<vmem>>
      %dma_start3A_115 = arith.constant 0 : i32
      %dma_start3A_116 = tpu.memref_slice %arg8[%add3A_112, %dma_start3A_115] : memref<48x16384xf32, #tpu.memory_space<hbm>> -> memref<1x4096xf32, #tpu.memory_space<hbm>>
      %dma_start3A_117 = tpu.memref_squeeze %dma_start3A_116 : memref<1x4096xf32, #tpu.memory_space<hbm>> -> memref<4096xf32, #tpu.memory_space<hbm>>
      %dma_start3A_118 = arith.constant 0 : i32
      %dma_start3A_119 = tpu.memref_slice %arg8[%add3A_112, %dma_start3A_118] : memref<48x16384xf32, #tpu.memory_space<hbm>> -> memref<1x4096xf32, #tpu.memory_space<hbm>>
      %dma_start3A_120 = tpu.memref_squeeze %dma_start3A_119 : memref<1x4096xf32, #tpu.memory_space<hbm>> -> memref<4096xf32, #tpu.memory_space<hbm>>
      %dma_start3A_121 = arith.constant 0 : i32
      %dma_start3A_122 = tpu.memref_slice %arg11[%dma_start3A_121] : memref<8192xf32, #tpu.memory_space<vmem>> -> memref<4096xf32, #tpu.memory_space<vmem>>
      tpu.enqueue_dma source(%dma_start3A_122 : memref<4096xf32, #tpu.memory_space<vmem>>) target(%dma_start3A_120 : memref<4096xf32, #tpu.memory_space<hbm>>) target_semaphore(%arg14 : memref<!tpu.dma_semaphore, #tpu.memory_space<semaphore_mem>>)
      %scan3A_123 = arith.constant 0 : i32
      %scan3A_124 = arith.constant 32 : i32
      %scan3A_125 = arith.addi %scan3A_123, %scan3A_124 : i32
      %scan3A_126 = arith.constant 1 : i32
      scf.for %scan3A_214 = %scan3A_123 to %scan3A_125 step %scan3A_126  : i32 {
        %mul3A_215 = arith.constant 1 : i32
        %mul3A_216 = arith.muli %scan3A_214, %mul3A_215 : i32
        %add3A_217 = arith.constant 0 : i32
        %add3A_218 = arith.addi %add3A_217, %mul3A_216 : i32
        %mul3A_219 = arith.constant 128 : i32
        %mul3A_220 = arith.muli %add3A_218, %mul3A_219 : i32
        %add3A_221 = arith.constant 4096 : i32
        %add3A_222 = arith.addi %add3A_221, %mul3A_220 : i32
        %mul3A_223 = arith.constant 128 : i32
        %mul3A_224 = arith.muli %add3A_218, %mul3A_223 : i32
        %add3A_225 = arith.constant 4096 : i32
        %add3A_226 = arith.addi %add3A_225, %mul3A_224 : i32
        %add3A_227 = arith.constant 0 : i32
        %add3A_228 = arith.addi %add3A_222, %add3A_227 : i32
        %get3A = arith.index_cast %add3A_228 : i32 to index
        %get3A_229 = tpu.vector_load %arg10[%get3A] {strides = array<i32>} : memref<16384xi32, #tpu.memory_space<vmem>>, vector<16xi32>,
        %add3A_230 = arith.constant 16 : i32
        %add3A_231 = arith.addi %add3A_222, %add3A_230 : i32
        %get3A_232 = arith.index_cast %add3A_231 : i32 to index
        %get3A_233 = tpu.vector_load %arg10[%get3A_232] {strides = array<i32>} : memref<16384xi32, #tpu.memory_space<vmem>>, vector<16xi32>,
        %add3A_234 = arith.constant 32 : i32
        %add3A_235 = arith.addi %add3A_222, %add3A_234 : i32
        %get3A_236 = arith.index_cast %add3A_235 : i32 to index
        %get3A_237 = tpu.vector_load %arg10[%get3A_236] {strides = array<i32>} : memref<16384xi32, #tpu.memory_space<vmem>>, vector<16xi32>,
        %add3A_238 = arith.constant 48 : i32
        %add3A_239 = arith.addi %add3A_222, %add3A_238 : i32
        %get3A_240 = arith.index_cast %add3A_239 : i32 to index
        %get3A_241 = tpu.vector_load %arg10[%get3A_240] {strides = array<i32>} : memref<16384xi32, #tpu.memory_space<vmem>>, vector<16xi32>,
        %add3A_242 = arith.constant 64 : i32
        %add3A_243 = arith.addi %add3A_222, %add3A_242 : i32
        %get3A_244 = arith.index_cast %add3A_243 : i32 to index
        %get3A_245 = tpu.vector_load %arg10[%get3A_244] {strides = array<i32>} : memref<16384xi32, #tpu.memory_space<vmem>>, vector<16xi32>,
        %add3A_246 = arith.constant 80 : i32
        %add3A_247 = arith.addi %add3A_222, %add3A_246 : i32
        %get3A_248 = arith.index_cast %add3A_247 : i32 to index
        %get3A_249 = tpu.vector_load %arg10[%get3A_248] {strides = array<i32>} : memref<16384xi32, #tpu.memory_space<vmem>>, vector<16xi32>,
        %add3A_250 = arith.constant 96 : i32
        %add3A_251 = arith.addi %add3A_222, %add3A_250 : i32
        %get3A_252 = arith.index_cast %add3A_251 : i32 to index
        %get3A_253 = tpu.vector_load %arg10[%get3A_252] {strides = array<i32>} : memref<16384xi32, #tpu.memory_space<vmem>>, vector<16xi32>,
        %add3A_254 = arith.constant 112 : i32
        %add3A_255 = arith.addi %add3A_222, %add3A_254 : i32
        %get3A_256 = arith.index_cast %add3A_255 : i32 to index
        %get3A_257 = tpu.vector_load %arg10[%get3A_256] {strides = array<i32>} : memref<16384xi32, #tpu.memory_space<vmem>>, vector<16xi32>,
        %gather3A = tpu.vector_load_idx %arg9[%get3A_229] : memref<100000xf32, #tpu.memory_space<vmem>>[vector<16xi32>], vector<16xf32>,
        %gather3A_258 = tpu.vector_load_idx %arg9[%get3A_233] : memref<100000xf32, #tpu.memory_space<vmem>>[vector<16xi32>], vector<16xf32>,
        %gather3A_259 = tpu.vector_load_idx %arg9[%get3A_237] : memref<100000xf32, #tpu.memory_space<vmem>>[vector<16xi32>], vector<16xf32>,
        %gather3A_260 = tpu.vector_load_idx %arg9[%get3A_241] : memref<100000xf32, #tpu.memory_space<vmem>>[vector<16xi32>], vector<16xf32>,
        %gather3A_261 = tpu.vector_load_idx %arg9[%get3A_245] : memref<100000xf32, #tpu.memory_space<vmem>>[vector<16xi32>], vector<16xf32>,
        %gather3A_262 = tpu.vector_load_idx %arg9[%get3A_249] : memref<100000xf32, #tpu.memory_space<vmem>>[vector<16xi32>], vector<16xf32>,
        %gather3A_263 = tpu.vector_load_idx %arg9[%get3A_253] : memref<100000xf32, #tpu.memory_space<vmem>>[vector<16xi32>], vector<16xf32>,
        %gather3A_264 = tpu.vector_load_idx %arg9[%get3A_257] : memref<100000xf32, #tpu.memory_space<vmem>>[vector<16xi32>], vector<16xf32>,
        %add3A_265 = arith.constant 0 : i32
        %add3A_266 = arith.addi %add3A_226, %add3A_265 : i32
        %swap3A = arith.index_cast %add3A_266 : i32 to index
        %swap3A_267 = tpu.vector_load %arg11[%swap3A] {strides = array<i32>} : memref<8192xf32, #tpu.memory_space<vmem>>, vector<16xf32>,
        tpu.vector_store %arg11[%swap3A], %gather3A {strides = array<i32>} : memref<8192xf32, #tpu.memory_space<vmem>>, vector<16xf32>,
        %add3A_268 = arith.constant 16 : i32
        %add3A_269 = arith.addi %add3A_226, %add3A_268 : i32
        %swap3A_270 = arith.index_cast %add3A_269 : i32 to index
        %swap3A_271 = tpu.vector_load %arg11[%swap3A_270] {strides = array<i32>} : memref<8192xf32, #tpu.memory_space<vmem>>, vector<16xf32>,
        tpu.vector_store %arg11[%swap3A_270], %gather3A_258 {strides = array<i32>} : memref<8192xf32, #tpu.memory_space<vmem>>, vector<16xf32>,
        %add3A_272 = arith.constant 32 : i32
        %add3A_273 = arith.addi %add3A_226, %add3A_272 : i32
        %swap3A_274 = arith.index_cast %add3A_273 : i32 to index
        %swap3A_275 = tpu.vector_load %arg11[%swap3A_274] {strides = array<i32>} : memref<8192xf32, #tpu.memory_space<vmem>>, vector<16xf32>,
        tpu.vector_store %arg11[%swap3A_274], %gather3A_259 {strides = array<i32>} : memref<8192xf32, #tpu.memory_space<vmem>>, vector<16xf32>,
        %add3A_276 = arith.constant 48 : i32
        %add3A_277 = arith.addi %add3A_226, %add3A_276 : i32
        %swap3A_278 = arith.index_cast %add3A_277 : i32 to index
        %swap3A_279 = tpu.vector_load %arg11[%swap3A_278] {strides = array<i32>} : memref<8192xf32, #tpu.memory_space<vmem>>, vector<16xf32>,
        tpu.vector_store %arg11[%swap3A_278], %gather3A_260 {strides = array<i32>} : memref<8192xf32, #tpu.memory_space<vmem>>, vector<16xf32>,
        %add3A_280 = arith.constant 64 : i32
        %add3A_281 = arith.addi %add3A_226, %add3A_280 : i32
        %swap3A_282 = arith.index_cast %add3A_281 : i32 to index
        %swap3A_283 = tpu.vector_load %arg11[%swap3A_282] {strides = array<i32>} : memref<8192xf32, #tpu.memory_space<vmem>>, vector<16xf32>,
        tpu.vector_store %arg11[%swap3A_282], %gather3A_261 {strides = array<i32>} : memref<8192xf32, #tpu.memory_space<vmem>>, vector<16xf32>,
        %add3A_284 = arith.constant 80 : i32
        %add3A_285 = arith.addi %add3A_226, %add3A_284 : i32
        %swap3A_286 = arith.index_cast %add3A_285 : i32 to index
        %swap3A_287 = tpu.vector_load %arg11[%swap3A_286] {strides = array<i32>} : memref<8192xf32, #tpu.memory_space<vmem>>, vector<16xf32>,
        tpu.vector_store %arg11[%swap3A_286], %gather3A_262 {strides = array<i32>} : memref<8192xf32, #tpu.memory_space<vmem>>, vector<16xf32>,
        %add3A_288 = arith.constant 96 : i32
        %add3A_289 = arith.addi %add3A_226, %add3A_288 : i32
        %swap3A_290 = arith.index_cast %add3A_289 : i32 to index
        %swap3A_291 = tpu.vector_load %arg11[%swap3A_290] {strides = array<i32>} : memref<8192xf32, #tpu.memory_space<vmem>>, vector<16xf32>,
        tpu.vector_store %arg11[%swap3A_290], %gather3A_263 {strides = array<i32>} : memref<8192xf32, #tpu.memory_space<vmem>>, vector<16xf32>,
        %add3A_292 = arith.constant 112 : i32
        %add3A_293 = arith.addi %add3A_226, %add3A_292 : i32
        %swap3A_294 = arith.index_cast %add3A_293 : i32 to index
        %swap3A_295 = tpu.vector_load %arg11[%swap3A_294] {strides = array<i32>} : memref<8192xf32, #tpu.memory_space<vmem>>, vector<16xf32>,
        tpu.vector_store %arg11[%swap3A_294], %gather3A_264 {strides = array<i32>} : memref<8192xf32, #tpu.memory_space<vmem>>, vector<16xf32>,
      }
      %scan3A_127 = arith.constant 32 : i32
      %add3A_128 = arith.constant 16 : i32
      %add3A_129 = arith.addi %add3A_128, %arg1 : i32
      %dma_start3A_130 = arith.constant 4096 : i32
      %dma_start3A_131 = tpu.memref_slice %arg11[%dma_start3A_130] : memref<8192xf32, #tpu.memory_space<vmem>> -> memref<4096xf32, #tpu.memory_space<vmem>>
      %dma_start3A_132 = arith.constant 4096 : i32
      %dma_start3A_133 = tpu.memref_slice %arg8[%add3A_129, %dma_start3A_132] : memref<48x16384xf32, #tpu.memory_space<hbm>> -> memref<1x4096xf32, #tpu.memory_space<hbm>>
      %dma_start3A_134 = tpu.memref_squeeze %dma_start3A_133 : memref<1x4096xf32, #tpu.memory_space<hbm>> -> memref<4096xf32, #tpu.memory_space<hbm>>
      %dma_start3A_135 = arith.constant 4096 : i32
      %dma_start3A_136 = tpu.memref_slice %arg8[%add3A_129, %dma_start3A_135] : memref<48x16384xf32, #tpu.memory_space<hbm>> -> memref<1x4096xf32, #tpu.memory_space<hbm>>
      %dma_start3A_137 = tpu.memref_squeeze %dma_start3A_136 : memref<1x4096xf32, #tpu.memory_space<hbm>> -> memref<4096xf32, #tpu.memory_space<hbm>>
      %dma_start3A_138 = arith.constant 4096 : i32
      %dma_start3A_139 = tpu.memref_slice %arg11[%dma_start3A_138] : memref<8192xf32, #tpu.memory_space<vmem>> -> memref<4096xf32, #tpu.memory_space<vmem>>
      tpu.enqueue_dma source(%dma_start3A_139 : memref<4096xf32, #tpu.memory_space<vmem>>) target(%dma_start3A_137 : memref<4096xf32, #tpu.memory_space<hbm>>) target_semaphore(%arg14 : memref<!tpu.dma_semaphore, #tpu.memory_space<semaphore_mem>>)
      %dma_wait3A_140 = arith.constant 0 : i32
      %dma_wait3A_141 = tpu.memref_slice %arg11[%dma_wait3A_140] : memref<8192xf32, #tpu.memory_space<vmem>> -> memref<4096xf32, #tpu.memory_space<vmem>>
      %dma_wait3A_142 = arith.constant 0 : i32
      %dma_wait3A_143 = tpu.memref_slice %arg8[%add3A_112, %dma_wait3A_142] : memref<48x16384xf32, #tpu.memory_space<hbm>> -> memref<1x4096xf32, #tpu.memory_space<hbm>>
      %dma_wait3A_144 = tpu.memref_squeeze %dma_wait3A_143 : memref<1x4096xf32, #tpu.memory_space<hbm>> -> memref<4096xf32, #tpu.memory_space<hbm>>
      %dma_wait3A_145 = arith.constant 0 : i32
      %dma_wait3A_146 = tpu.memref_slice %arg8[%add3A_112, %dma_wait3A_145] : memref<48x16384xf32, #tpu.memory_space<hbm>> -> memref<1x4096xf32, #tpu.memory_space<hbm>>
      %dma_wait3A_147 = tpu.memref_squeeze %dma_wait3A_146 : memref<1x4096xf32, #tpu.memory_space<hbm>> -> memref<4096xf32, #tpu.memory_space<hbm>>
      %dma_wait3A_148 = arith.constant 0 : i32
      %dma_wait3A_149 = tpu.memref_slice %arg11[%dma_wait3A_148] : memref<8192xf32, #tpu.memory_space<vmem>> -> memref<4096xf32, #tpu.memory_space<vmem>>
      tpu.wait_dma2 semaphore(%arg14 : memref<!tpu.dma_semaphore, #tpu.memory_space<semaphore_mem>>) src(%dma_wait3A_149 : memref<4096xf32, #tpu.memory_space<vmem>>) dst(%dma_wait3A_147 : memref<4096xf32, #tpu.memory_space<hbm>>)
      %scan3A_150 = arith.constant 0 : i32
      %scan3A_151 = arith.constant 32 : i32
      %scan3A_152 = arith.addi %scan3A_150, %scan3A_151 : i32
      %scan3A_153 = arith.constant 1 : i32
      scf.for %scan3A_214 = %scan3A_150 to %scan3A_152 step %scan3A_153  : i32 {
        %mul3A_215 = arith.constant 1 : i32
        %mul3A_216 = arith.muli %scan3A_214, %mul3A_215 : i32
        %add3A_217 = arith.constant 0 : i32
        %add3A_218 = arith.addi %add3A_217, %mul3A_216 : i32
        %mul3A_219 = arith.constant 128 : i32
        %mul3A_220 = arith.muli %add3A_218, %mul3A_219 : i32
        %add3A_221 = arith.constant 8192 : i32
        %add3A_222 = arith.addi %add3A_221, %mul3A_220 : i32
        %mul3A_223 = arith.constant 128 : i32
        %mul3A_224 = arith.muli %add3A_218, %mul3A_223 : i32
        %add3A_225 = arith.constant 0 : i32
        %add3A_226 = arith.addi %add3A_225, %mul3A_224 : i32
        %add3A_227 = arith.constant 0 : i32
        %add3A_228 = arith.addi %add3A_222, %add3A_227 : i32
        %get3A = arith.index_cast %add3A_228 : i32 to index
        %get3A_229 = tpu.vector_load %arg10[%get3A] {strides = array<i32>} : memref<16384xi32, #tpu.memory_space<vmem>>, vector<16xi32>,
        %add3A_230 = arith.constant 16 : i32
        %add3A_231 = arith.addi %add3A_222, %add3A_230 : i32
        %get3A_232 = arith.index_cast %add3A_231 : i32 to index
        %get3A_233 = tpu.vector_load %arg10[%get3A_232] {strides = array<i32>} : memref<16384xi32, #tpu.memory_space<vmem>>, vector<16xi32>,
        %add3A_234 = arith.constant 32 : i32
        %add3A_235 = arith.addi %add3A_222, %add3A_234 : i32
        %get3A_236 = arith.index_cast %add3A_235 : i32 to index
        %get3A_237 = tpu.vector_load %arg10[%get3A_236] {strides = array<i32>} : memref<16384xi32, #tpu.memory_space<vmem>>, vector<16xi32>,
        %add3A_238 = arith.constant 48 : i32
        %add3A_239 = arith.addi %add3A_222, %add3A_238 : i32
        %get3A_240 = arith.index_cast %add3A_239 : i32 to index
        %get3A_241 = tpu.vector_load %arg10[%get3A_240] {strides = array<i32>} : memref<16384xi32, #tpu.memory_space<vmem>>, vector<16xi32>,
        %add3A_242 = arith.constant 64 : i32
        %add3A_243 = arith.addi %add3A_222, %add3A_242 : i32
        %get3A_244 = arith.index_cast %add3A_243 : i32 to index
        %get3A_245 = tpu.vector_load %arg10[%get3A_244] {strides = array<i32>} : memref<16384xi32, #tpu.memory_space<vmem>>, vector<16xi32>,
        %add3A_246 = arith.constant 80 : i32
        %add3A_247 = arith.addi %add3A_222, %add3A_246 : i32
        %get3A_248 = arith.index_cast %add3A_247 : i32 to index
        %get3A_249 = tpu.vector_load %arg10[%get3A_248] {strides = array<i32>} : memref<16384xi32, #tpu.memory_space<vmem>>, vector<16xi32>,
        %add3A_250 = arith.constant 96 : i32
        %add3A_251 = arith.addi %add3A_222, %add3A_250 : i32
        %get3A_252 = arith.index_cast %add3A_251 : i32 to index
        %get3A_253 = tpu.vector_load %arg10[%get3A_252] {strides = array<i32>} : memref<16384xi32, #tpu.memory_space<vmem>>, vector<16xi32>,
        %add3A_254 = arith.constant 112 : i32
        %add3A_255 = arith.addi %add3A_222, %add3A_254 : i32
        %get3A_256 = arith.index_cast %add3A_255 : i32 to index
        %get3A_257 = tpu.vector_load %arg10[%get3A_256] {strides = array<i32>} : memref<16384xi32, #tpu.memory_space<vmem>>, vector<16xi32>,
        %gather3A = tpu.vector_load_idx %arg9[%get3A_229] : memref<100000xf32, #tpu.memory_space<vmem>>[vector<16xi32>], vector<16xf32>,
        %gather3A_258 = tpu.vector_load_idx %arg9[%get3A_233] : memref<100000xf32, #tpu.memory_space<vmem>>[vector<16xi32>], vector<16xf32>,
        %gather3A_259 = tpu.vector_load_idx %arg9[%get3A_237] : memref<100000xf32, #tpu.memory_space<vmem>>[vector<16xi32>], vector<16xf32>,
        %gather3A_260 = tpu.vector_load_idx %arg9[%get3A_241] : memref<100000xf32, #tpu.memory_space<vmem>>[vector<16xi32>], vector<16xf32>,
        %gather3A_261 = tpu.vector_load_idx %arg9[%get3A_245] : memref<100000xf32, #tpu.memory_space<vmem>>[vector<16xi32>], vector<16xf32>,
        %gather3A_262 = tpu.vector_load_idx %arg9[%get3A_249] : memref<100000xf32, #tpu.memory_space<vmem>>[vector<16xi32>], vector<16xf32>,
        %gather3A_263 = tpu.vector_load_idx %arg9[%get3A_253] : memref<100000xf32, #tpu.memory_space<vmem>>[vector<16xi32>], vector<16xf32>,
        %gather3A_264 = tpu.vector_load_idx %arg9[%get3A_257] : memref<100000xf32, #tpu.memory_space<vmem>>[vector<16xi32>], vector<16xf32>,
        %add3A_265 = arith.constant 0 : i32
        %add3A_266 = arith.addi %add3A_226, %add3A_265 : i32
        %swap3A = arith.index_cast %add3A_266 : i32 to index
        %swap3A_267 = tpu.vector_load %arg11[%swap3A] {strides = array<i32>} : memref<8192xf32, #tpu.memory_space<vmem>>, vector<16xf32>,
        tpu.vector_store %arg11[%swap3A], %gather3A {strides = array<i32>} : memref<8192xf32, #tpu.memory_space<vmem>>, vector<16xf32>,
        %add3A_268 = arith.constant 16 : i32
        %add3A_269 = arith.addi %add3A_226, %add3A_268 : i32
        %swap3A_270 = arith.index_cast %add3A_269 : i32 to index
        %swap3A_271 = tpu.vector_load %arg11[%swap3A_270] {strides = array<i32>} : memref<8192xf32, #tpu.memory_space<vmem>>, vector<16xf32>,
        tpu.vector_store %arg11[%swap3A_270], %gather3A_258 {strides = array<i32>} : memref<8192xf32, #tpu.memory_space<vmem>>, vector<16xf32>,
        %add3A_272 = arith.constant 32 : i32
        %add3A_273 = arith.addi %add3A_226, %add3A_272 : i32
        %swap3A_274 = arith.index_cast %add3A_273 : i32 to index
        %swap3A_275 = tpu.vector_load %arg11[%swap3A_274] {strides = array<i32>} : memref<8192xf32, #tpu.memory_space<vmem>>, vector<16xf32>,
        tpu.vector_store %arg11[%swap3A_274], %gather3A_259 {strides = array<i32>} : memref<8192xf32, #tpu.memory_space<vmem>>, vector<16xf32>,
        %add3A_276 = arith.constant 48 : i32
        %add3A_277 = arith.addi %add3A_226, %add3A_276 : i32
        %swap3A_278 = arith.index_cast %add3A_277 : i32 to index
        %swap3A_279 = tpu.vector_load %arg11[%swap3A_278] {strides = array<i32>} : memref<8192xf32, #tpu.memory_space<vmem>>, vector<16xf32>,
        tpu.vector_store %arg11[%swap3A_278], %gather3A_260 {strides = array<i32>} : memref<8192xf32, #tpu.memory_space<vmem>>, vector<16xf32>,
        %add3A_280 = arith.constant 64 : i32
        %add3A_281 = arith.addi %add3A_226, %add3A_280 : i32
        %swap3A_282 = arith.index_cast %add3A_281 : i32 to index
        %swap3A_283 = tpu.vector_load %arg11[%swap3A_282] {strides = array<i32>} : memref<8192xf32, #tpu.memory_space<vmem>>, vector<16xf32>,
        tpu.vector_store %arg11[%swap3A_282], %gather3A_261 {strides = array<i32>} : memref<8192xf32, #tpu.memory_space<vmem>>, vector<16xf32>,
        %add3A_284 = arith.constant 80 : i32
        %add3A_285 = arith.addi %add3A_226, %add3A_284 : i32
        %swap3A_286 = arith.index_cast %add3A_285 : i32 to index
        %swap3A_287 = tpu.vector_load %arg11[%swap3A_286] {strides = array<i32>} : memref<8192xf32, #tpu.memory_space<vmem>>, vector<16xf32>,
        tpu.vector_store %arg11[%swap3A_286], %gather3A_262 {strides = array<i32>} : memref<8192xf32, #tpu.memory_space<vmem>>, vector<16xf32>,
        %add3A_288 = arith.constant 96 : i32
        %add3A_289 = arith.addi %add3A_226, %add3A_288 : i32
        %swap3A_290 = arith.index_cast %add3A_289 : i32 to index
        %swap3A_291 = tpu.vector_load %arg11[%swap3A_290] {strides = array<i32>} : memref<8192xf32, #tpu.memory_space<vmem>>, vector<16xf32>,
        tpu.vector_store %arg11[%swap3A_290], %gather3A_263 {strides = array<i32>} : memref<8192xf32, #tpu.memory_space<vmem>>, vector<16xf32>,
        %add3A_292 = arith.constant 112 : i32
        %add3A_293 = arith.addi %add3A_226, %add3A_292 : i32
        %swap3A_294 = arith.index_cast %add3A_293 : i32 to index
        %swap3A_295 = tpu.vector_load %arg11[%swap3A_294] {strides = array<i32>} : memref<8192xf32, #tpu.memory_space<vmem>>, vector<16xf32>,
        tpu.vector_store %arg11[%swap3A_294], %gather3A_264 {strides = array<i32>} : memref<8192xf32, #tpu.memory_space<vmem>>, vector<16xf32>,
      }
      %scan3A_154 = arith.constant 32 : i32
      %add3A_155 = arith.constant 16 : i32
      %add3A_156 = arith.addi %add3A_155, %arg1 : i32
      %dma_start3A_157 = arith.constant 0 : i32
      %dma_start3A_158 = tpu.memref_slice %arg11[%dma_start3A_157] : memref<8192xf32, #tpu.memory_space<vmem>> -> memref<4096xf32, #tpu.memory_space<vmem>>
      %dma_start3A_159 = arith.constant 8192 : i32
      %dma_start3A_160 = tpu.memref_slice %arg8[%add3A_156, %dma_start3A_159] : memref<48x16384xf32, #tpu.memory_space<hbm>> -> memref<1x4096xf32, #tpu.memory_space<hbm>>
      %dma_start3A_161 = tpu.memref_squeeze %dma_start3A_160 : memref<1x4096xf32, #tpu.memory_space<hbm>> -> memref<4096xf32, #tpu.memory_space<hbm>>
      %dma_start3A_162 = arith.constant 8192 : i32
      %dma_start3A_163 = tpu.memref_slice %arg8[%add3A_156, %dma_start3A_162] : memref<48x16384xf32, #tpu.memory_space<hbm>> -> memref<1x4096xf32, #tpu.memory_space<hbm>>
      %dma_start3A_164 = tpu.memref_squeeze %dma_start3A_163 : memref<1x4096xf32, #tpu.memory_space<hbm>> -> memref<4096xf32, #tpu.memory_space<hbm>>
      %dma_start3A_165 = arith.constant 0 : i32
      %dma_start3A_166 = tpu.memref_slice %arg11[%dma_start3A_165] : memref<8192xf32, #tpu.memory_space<vmem>> -> memref<4096xf32, #tpu.memory_space<vmem>>
      tpu.enqueue_dma source(%dma_start3A_166 : memref<4096xf32, #tpu.memory_space<vmem>>) target(%dma_start3A_164 : memref<4096xf32, #tpu.memory_space<hbm>>) target_semaphore(%arg14 : memref<!tpu.dma_semaphore, #tpu.memory_space<semaphore_mem>>)
      %dma_wait3A_167 = arith.constant 4096 : i32
      %dma_wait3A_168 = tpu.memref_slice %arg11[%dma_wait3A_167] : memref<8192xf32, #tpu.memory_space<vmem>> -> memref<4096xf32, #tpu.memory_space<vmem>>
      %dma_wait3A_169 = arith.constant 4096 : i32
      %dma_wait3A_170 = tpu.memref_slice %arg8[%add3A_129, %dma_wait3A_169] : memref<48x16384xf32, #tpu.memory_space<hbm>> -> memref<1x4096xf32, #tpu.memory_space<hbm>>
      %dma_wait3A_171 = tpu.memref_squeeze %dma_wait3A_170 : memref<1x4096xf32, #tpu.memory_space<hbm>> -> memref<4096xf32, #tpu.memory_space<hbm>>
      %dma_wait3A_172 = arith.constant 4096 : i32
      %dma_wait3A_173 = tpu.memref_slice %arg8[%add3A_129, %dma_wait3A_172] : memref<48x16384xf32, #tpu.memory_space<hbm>> -> memref<1x4096xf32, #tpu.memory_space<hbm>>
      %dma_wait3A_174 = tpu.memref_squeeze %dma_wait3A_173 : memref<1x4096xf32, #tpu.memory_space<hbm>> -> memref<4096xf32, #tpu.memory_space<hbm>>
      %dma_wait3A_175 = arith.constant 4096 : i32
      %dma_wait3A_176 = tpu.memref_slice %arg11[%dma_wait3A_175] : memref<8192xf32, #tpu.memory_space<vmem>> -> memref<4096xf32, #tpu.memory_space<vmem>>
      tpu.wait_dma2 semaphore(%arg14 : memref<!tpu.dma_semaphore, #tpu.memory_space<semaphore_mem>>) src(%dma_wait3A_176 : memref<4096xf32, #tpu.memory_space<vmem>>) dst(%dma_wait3A_174 : memref<4096xf32, #tpu.memory_space<hbm>>)
      %scan3A_177 = arith.constant 0 : i32
      %scan3A_178 = arith.constant 32 : i32
      %scan3A_179 = arith.addi %scan3A_177, %scan3A_178 : i32
      %scan3A_180 = arith.constant 1 : i32
      scf.for %scan3A_214 = %scan3A_177 to %scan3A_179 step %scan3A_180  : i32 {
        %mul3A_215 = arith.constant 1 : i32
        %mul3A_216 = arith.muli %scan3A_214, %mul3A_215 : i32
        %add3A_217 = arith.constant 0 : i32
        %add3A_218 = arith.addi %add3A_217, %mul3A_216 : i32
        %mul3A_219 = arith.constant 128 : i32
        %mul3A_220 = arith.muli %add3A_218, %mul3A_219 : i32
        %add3A_221 = arith.constant 12288 : i32
        %add3A_222 = arith.addi %add3A_221, %mul3A_220 : i32
        %mul3A_223 = arith.constant 128 : i32
        %mul3A_224 = arith.muli %add3A_218, %mul3A_223 : i32
        %add3A_225 = arith.constant 4096 : i32
        %add3A_226 = arith.addi %add3A_225, %mul3A_224 : i32
        %add3A_227 = arith.constant 0 : i32
        %add3A_228 = arith.addi %add3A_222, %add3A_227 : i32
        %get3A = arith.index_cast %add3A_228 : i32 to index
        %get3A_229 = tpu.vector_load %arg10[%get3A] {strides = array<i32>} : memref<16384xi32, #tpu.memory_space<vmem>>, vector<16xi32>,
        %add3A_230 = arith.constant 16 : i32
        %add3A_231 = arith.addi %add3A_222, %add3A_230 : i32
        %get3A_232 = arith.index_cast %add3A_231 : i32 to index
        %get3A_233 = tpu.vector_load %arg10[%get3A_232] {strides = array<i32>} : memref<16384xi32, #tpu.memory_space<vmem>>, vector<16xi32>,
        %add3A_234 = arith.constant 32 : i32
        %add3A_235 = arith.addi %add3A_222, %add3A_234 : i32
        %get3A_236 = arith.index_cast %add3A_235 : i32 to index
        %get3A_237 = tpu.vector_load %arg10[%get3A_236] {strides = array<i32>} : memref<16384xi32, #tpu.memory_space<vmem>>, vector<16xi32>,
        %add3A_238 = arith.constant 48 : i32
        %add3A_239 = arith.addi %add3A_222, %add3A_238 : i32
        %get3A_240 = arith.index_cast %add3A_239 : i32 to index
        %get3A_241 = tpu.vector_load %arg10[%get3A_240] {strides = array<i32>} : memref<16384xi32, #tpu.memory_space<vmem>>, vector<16xi32>,
        %add3A_242 = arith.constant 64 : i32
        %add3A_243 = arith.addi %add3A_222, %add3A_242 : i32
        %get3A_244 = arith.index_cast %add3A_243 : i32 to index
        %get3A_245 = tpu.vector_load %arg10[%get3A_244] {strides = array<i32>} : memref<16384xi32, #tpu.memory_space<vmem>>, vector<16xi32>,
        %add3A_246 = arith.constant 80 : i32
        %add3A_247 = arith.addi %add3A_222, %add3A_246 : i32
        %get3A_248 = arith.index_cast %add3A_247 : i32 to index
        %get3A_249 = tpu.vector_load %arg10[%get3A_248] {strides = array<i32>} : memref<16384xi32, #tpu.memory_space<vmem>>, vector<16xi32>,
        %add3A_250 = arith.constant 96 : i32
        %add3A_251 = arith.addi %add3A_222, %add3A_250 : i32
        %get3A_252 = arith.index_cast %add3A_251 : i32 to index
        %get3A_253 = tpu.vector_load %arg10[%get3A_252] {strides = array<i32>} : memref<16384xi32, #tpu.memory_space<vmem>>, vector<16xi32>,
        %add3A_254 = arith.constant 112 : i32
        %add3A_255 = arith.addi %add3A_222, %add3A_254 : i32
        %get3A_256 = arith.index_cast %add3A_255 : i32 to index
        %get3A_257 = tpu.vector_load %arg10[%get3A_256] {strides = array<i32>} : memref<16384xi32, #tpu.memory_space<vmem>>, vector<16xi32>,
        %gather3A = tpu.vector_load_idx %arg9[%get3A_229] : memref<100000xf32, #tpu.memory_space<vmem>>[vector<16xi32>], vector<16xf32>,
        %gather3A_258 = tpu.vector_load_idx %arg9[%get3A_233] : memref<100000xf32, #tpu.memory_space<vmem>>[vector<16xi32>], vector<16xf32>,
        %gather3A_259 = tpu.vector_load_idx %arg9[%get3A_237] : memref<100000xf32, #tpu.memory_space<vmem>>[vector<16xi32>], vector<16xf32>,
        %gather3A_260 = tpu.vector_load_idx %arg9[%get3A_241] : memref<100000xf32, #tpu.memory_space<vmem>>[vector<16xi32>], vector<16xf32>,
        %gather3A_261 = tpu.vector_load_idx %arg9[%get3A_245] : memref<100000xf32, #tpu.memory_space<vmem>>[vector<16xi32>], vector<16xf32>,
        %gather3A_262 = tpu.vector_load_idx %arg9[%get3A_249] : memref<100000xf32, #tpu.memory_space<vmem>>[vector<16xi32>], vector<16xf32>,
        %gather3A_263 = tpu.vector_load_idx %arg9[%get3A_253] : memref<100000xf32, #tpu.memory_space<vmem>>[vector<16xi32>], vector<16xf32>,
        %gather3A_264 = tpu.vector_load_idx %arg9[%get3A_257] : memref<100000xf32, #tpu.memory_space<vmem>>[vector<16xi32>], vector<16xf32>,
        %add3A_265 = arith.constant 0 : i32
        %add3A_266 = arith.addi %add3A_226, %add3A_265 : i32
        %swap3A = arith.index_cast %add3A_266 : i32 to index
        %swap3A_267 = tpu.vector_load %arg11[%swap3A] {strides = array<i32>} : memref<8192xf32, #tpu.memory_space<vmem>>, vector<16xf32>,
        tpu.vector_store %arg11[%swap3A], %gather3A {strides = array<i32>} : memref<8192xf32, #tpu.memory_space<vmem>>, vector<16xf32>,
        %add3A_268 = arith.constant 16 : i32
        %add3A_269 = arith.addi %add3A_226, %add3A_268 : i32
        %swap3A_270 = arith.index_cast %add3A_269 : i32 to index
        %swap3A_271 = tpu.vector_load %arg11[%swap3A_270] {strides = array<i32>} : memref<8192xf32, #tpu.memory_space<vmem>>, vector<16xf32>,
        tpu.vector_store %arg11[%swap3A_270], %gather3A_258 {strides = array<i32>} : memref<8192xf32, #tpu.memory_space<vmem>>, vector<16xf32>,
        %add3A_272 = arith.constant 32 : i32
        %add3A_273 = arith.addi %add3A_226, %add3A_272 : i32
        %swap3A_274 = arith.index_cast %add3A_273 : i32 to index
        %swap3A_275 = tpu.vector_load %arg11[%swap3A_274] {strides = array<i32>} : memref<8192xf32, #tpu.memory_space<vmem>>, vector<16xf32>,
        tpu.vector_store %arg11[%swap3A_274], %gather3A_259 {strides = array<i32>} : memref<8192xf32, #tpu.memory_space<vmem>>, vector<16xf32>,
        %add3A_276 = arith.constant 48 : i32
        %add3A_277 = arith.addi %add3A_226, %add3A_276 : i32
        %swap3A_278 = arith.index_cast %add3A_277 : i32 to index
        %swap3A_279 = tpu.vector_load %arg11[%swap3A_278] {strides = array<i32>} : memref<8192xf32, #tpu.memory_space<vmem>>, vector<16xf32>,
        tpu.vector_store %arg11[%swap3A_278], %gather3A_260 {strides = array<i32>} : memref<8192xf32, #tpu.memory_space<vmem>>, vector<16xf32>,
        %add3A_280 = arith.constant 64 : i32
        %add3A_281 = arith.addi %add3A_226, %add3A_280 : i32
        %swap3A_282 = arith.index_cast %add3A_281 : i32 to index
        %swap3A_283 = tpu.vector_load %arg11[%swap3A_282] {strides = array<i32>} : memref<8192xf32, #tpu.memory_space<vmem>>, vector<16xf32>,
        tpu.vector_store %arg11[%swap3A_282], %gather3A_261 {strides = array<i32>} : memref<8192xf32, #tpu.memory_space<vmem>>, vector<16xf32>,
        %add3A_284 = arith.constant 80 : i32
        %add3A_285 = arith.addi %add3A_226, %add3A_284 : i32
        %swap3A_286 = arith.index_cast %add3A_285 : i32 to index
        %swap3A_287 = tpu.vector_load %arg11[%swap3A_286] {strides = array<i32>} : memref<8192xf32, #tpu.memory_space<vmem>>, vector<16xf32>,
        tpu.vector_store %arg11[%swap3A_286], %gather3A_262 {strides = array<i32>} : memref<8192xf32, #tpu.memory_space<vmem>>, vector<16xf32>,
        %add3A_288 = arith.constant 96 : i32
        %add3A_289 = arith.addi %add3A_226, %add3A_288 : i32
        %swap3A_290 = arith.index_cast %add3A_289 : i32 to index
        %swap3A_291 = tpu.vector_load %arg11[%swap3A_290] {strides = array<i32>} : memref<8192xf32, #tpu.memory_space<vmem>>, vector<16xf32>,
        tpu.vector_store %arg11[%swap3A_290], %gather3A_263 {strides = array<i32>} : memref<8192xf32, #tpu.memory_space<vmem>>, vector<16xf32>,
        %add3A_292 = arith.constant 112 : i32
        %add3A_293 = arith.addi %add3A_226, %add3A_292 : i32
        %swap3A_294 = arith.index_cast %add3A_293 : i32 to index
        %swap3A_295 = tpu.vector_load %arg11[%swap3A_294] {strides = array<i32>} : memref<8192xf32, #tpu.memory_space<vmem>>, vector<16xf32>,
        tpu.vector_store %arg11[%swap3A_294], %gather3A_264 {strides = array<i32>} : memref<8192xf32, #tpu.memory_space<vmem>>, vector<16xf32>,
      }
      %scan3A_181 = arith.constant 32 : i32
      %add3A_182 = arith.constant 16 : i32
      %add3A_183 = arith.addi %add3A_182, %arg1 : i32
      %dma_start3A_184 = arith.constant 4096 : i32
      %dma_start3A_185 = tpu.memref_slice %arg11[%dma_start3A_184] : memref<8192xf32, #tpu.memory_space<vmem>> -> memref<4096xf32, #tpu.memory_space<vmem>>
      %dma_start3A_186 = arith.constant 12288 : i32
      %dma_start3A_187 = tpu.memref_slice %arg8[%add3A_183, %dma_start3A_186] : memref<48x16384xf32, #tpu.memory_space<hbm>> -> memref<1x4096xf32, #tpu.memory_space<hbm>>
      %dma_start3A_188 = tpu.memref_squeeze %dma_start3A_187 : memref<1x4096xf32, #tpu.memory_space<hbm>> -> memref<4096xf32, #tpu.memory_space<hbm>>
      %dma_start3A_189 = arith.constant 12288 : i32
      %dma_start3A_190 = tpu.memref_slice %arg8[%add3A_183, %dma_start3A_189] : memref<48x16384xf32, #tpu.memory_space<hbm>> -> memref<1x4096xf32, #tpu.memory_space<hbm>>
      %dma_start3A_191 = tpu.memref_squeeze %dma_start3A_190 : memref<1x4096xf32, #tpu.memory_space<hbm>> -> memref<4096xf32, #tpu.memory_space<hbm>>
      %dma_start3A_192 = arith.constant 4096 : i32
      %dma_start3A_193 = tpu.memref_slice %arg11[%dma_start3A_192] : memref<8192xf32, #tpu.memory_space<vmem>> -> memref<4096xf32, #tpu.memory_space<vmem>>
      tpu.enqueue_dma source(%dma_start3A_193 : memref<4096xf32, #tpu.memory_space<vmem>>) target(%dma_start3A_191 : memref<4096xf32, #tpu.memory_space<hbm>>) target_semaphore(%arg14 : memref<!tpu.dma_semaphore, #tpu.memory_space<semaphore_mem>>)
      %dma_wait3A_194 = arith.constant 0 : i32
      %dma_wait3A_195 = tpu.memref_slice %arg11[%dma_wait3A_194] : memref<8192xf32, #tpu.memory_space<vmem>> -> memref<4096xf32, #tpu.memory_space<vmem>>
      %dma_wait3A_196 = arith.constant 8192 : i32
      %dma_wait3A_197 = tpu.memref_slice %arg8[%add3A_156, %dma_wait3A_196] : memref<48x16384xf32, #tpu.memory_space<hbm>> -> memref<1x4096xf32, #tpu.memory_space<hbm>>
      %dma_wait3A_198 = tpu.memref_squeeze %dma_wait3A_197 : memref<1x4096xf32, #tpu.memory_space<hbm>> -> memref<4096xf32, #tpu.memory_space<hbm>>
      %dma_wait3A_199 = arith.constant 8192 : i32
      %dma_wait3A_200 = tpu.memref_slice %arg8[%add3A_156, %dma_wait3A_199] : memref<48x16384xf32, #tpu.memory_space<hbm>> -> memref<1x4096xf32, #tpu.memory_space<hbm>>
      %dma_wait3A_201 = tpu.memref_squeeze %dma_wait3A_200 : memref<1x4096xf32, #tpu.memory_space<hbm>> -> memref<4096xf32, #tpu.memory_space<hbm>>
      %dma_wait3A_202 = arith.constant 0 : i32
      %dma_wait3A_203 = tpu.memref_slice %arg11[%dma_wait3A_202] : memref<8192xf32, #tpu.memory_space<vmem>> -> memref<4096xf32, #tpu.memory_space<vmem>>
      tpu.wait_dma2 semaphore(%arg14 : memref<!tpu.dma_semaphore, #tpu.memory_space<semaphore_mem>>) src(%dma_wait3A_203 : memref<4096xf32, #tpu.memory_space<vmem>>) dst(%dma_wait3A_201 : memref<4096xf32, #tpu.memory_space<hbm>>)
      %dma_wait3A_204 = arith.constant 4096 : i32
      %dma_wait3A_205 = tpu.memref_slice %arg11[%dma_wait3A_204] : memref<8192xf32, #tpu.memory_space<vmem>> -> memref<4096xf32, #tpu.memory_space<vmem>>
      %dma_wait3A_206 = arith.constant 12288 : i32
      %dma_wait3A_207 = tpu.memref_slice %arg8[%add3A_183, %dma_wait3A_206] : memref<48x16384xf32, #tpu.memory_space<hbm>> -> memref<1x4096xf32, #tpu.memory_space<hbm>>
      %dma_wait3A_208 = tpu.memref_squeeze %dma_wait3A_207 : memref<1x4096xf32, #tpu.memory_space<hbm>> -> memref<4096xf32, #tpu.memory_space<hbm>>
      %dma_wait3A_209 = arith.constant 12288 : i32
      %dma_wait3A_210 = tpu.memref_slice %arg8[%add3A_183, %dma_wait3A_209] : memref<48x16384xf32, #tpu.memory_space<hbm>> -> memref<1x4096xf32, #tpu.memory_space<hbm>>
      %dma_wait3A_211 = tpu.memref_squeeze %dma_wait3A_210 : memref<1x4096xf32, #tpu.memory_space<hbm>> -> memref<4096xf32, #tpu.memory_space<hbm>>
      %dma_wait3A_212 = arith.constant 4096 : i32
      %dma_wait3A_213 = tpu.memref_slice %arg11[%dma_wait3A_212] : memref<8192xf32, #tpu.memory_space<vmem>> -> memref<4096xf32, #tpu.memory_space<vmem>>
      tpu.wait_dma2 semaphore(%arg14 : memref<!tpu.dma_semaphore, #tpu.memory_space<semaphore_mem>>) src(%dma_wait3A_213 : memref<4096xf32, #tpu.memory_space<vmem>>) dst(%dma_wait3A_211 : memref<4096xf32, #tpu.memory_space<hbm>>)
    } else {
    }
    %mul3A = arith.constant 8192 : i32
    %mul3A_7 = arith.muli %arg0, %mul3A : i32
    %dma_start3A = arith.constant 0 : i32
    %dma_start3A_8 = tpu.memref_slice %arg10[%dma_start3A] : memref<16384xi32, #tpu.memory_space<vmem>> -> memref<8192xi32, #tpu.memory_space<vmem>>
    %dma_start3A_9 = tpu.memref_slice %arg4[%mul3A_7] : memref<16384xi32, #tpu.memory_space<hbm>> -> memref<8192xi32, #tpu.memory_space<hbm>>
    %dma_start3A_10 = arith.constant 0 : i32
    %dma_start3A_11 = tpu.memref_slice %arg10[%dma_start3A_10] : memref<16384xi32, #tpu.memory_space<vmem>> -> memref<8192xi32, #tpu.memory_space<vmem>>
    %dma_start3A_12 = tpu.memref_slice %arg4[%mul3A_7] : memref<16384xi32, #tpu.memory_space<hbm>> -> memref<8192xi32, #tpu.memory_space<hbm>>
    tpu.enqueue_dma source(%dma_start3A_12 : memref<8192xi32, #tpu.memory_space<hbm>>) target(%dma_start3A_11 : memref<8192xi32, #tpu.memory_space<vmem>>) target_semaphore(%arg13 : memref<!tpu.dma_semaphore, #tpu.memory_space<semaphore_mem>>)
    %dma_start3A_13 = arith.constant 0 : i32
    %dma_start3A_14 = tpu.memref_slice %arg7[%arg1, %dma_start3A_13] : memref<16x100000xf32, #tpu.memory_space<hbm>> -> memref<1x100000xf32, #tpu.memory_space<hbm>>
    %dma_start3A_15 = tpu.memref_squeeze %dma_start3A_14 : memref<1x100000xf32, #tpu.memory_space<hbm>> -> memref<100000xf32, #tpu.memory_space<hbm>>
    %dma_start3A_16 = arith.constant 0 : i32
    %dma_start3A_17 = tpu.memref_slice %arg7[%arg1, %dma_start3A_16] : memref<16x100000xf32, #tpu.memory_space<hbm>> -> memref<1x100000xf32, #tpu.memory_space<hbm>>
    %dma_start3A_18 = tpu.memref_squeeze %dma_start3A_17 : memref<1x100000xf32, #tpu.memory_space<hbm>> -> memref<100000xf32, #tpu.memory_space<hbm>>
    tpu.enqueue_dma source(%dma_start3A_18 : memref<100000xf32, #tpu.memory_space<hbm>>) target(%arg9 : memref<100000xf32, #tpu.memory_space<vmem>>) target_semaphore(%arg12 : memref<!tpu.dma_semaphore, #tpu.memory_space<semaphore_mem>>)
    %dma_wait3A = arith.constant 0 : i32
    %dma_wait3A_19 = tpu.memref_slice %arg10[%dma_wait3A] : memref<16384xi32, #tpu.memory_space<vmem>> -> memref<8192xi32, #tpu.memory_space<vmem>>
    %dma_wait3A_20 = tpu.memref_slice %arg4[%mul3A_7] : memref<16384xi32, #tpu.memory_space<hbm>> -> memref<8192xi32, #tpu.memory_space<hbm>>
    %dma_wait3A_21 = arith.constant 0 : i32
    %dma_wait3A_22 = tpu.memref_slice %arg10[%dma_wait3A_21] : memref<16384xi32, #tpu.memory_space<vmem>> -> memref<8192xi32, #tpu.memory_space<vmem>>
    %dma_wait3A_23 = tpu.memref_slice %arg4[%mul3A_7] : memref<16384xi32, #tpu.memory_space<hbm>> -> memref<8192xi32, #tpu.memory_space<hbm>>
    tpu.wait_dma2 semaphore(%arg13 : memref<!tpu.dma_semaphore, #tpu.memory_space<semaphore_mem>>) src(%dma_wait3A_23 : memref<8192xi32, #tpu.memory_space<hbm>>) dst(%dma_wait3A_22 : memref<8192xi32, #tpu.memory_space<vmem>>)
    %dma_wait3A_24 = arith.constant 0 : i32
    %dma_wait3A_25 = tpu.memref_slice %arg7[%arg1, %dma_wait3A_24] : memref<16x100000xf32, #tpu.memory_space<hbm>> -> memref<1x100000xf32, #tpu.memory_space<hbm>>
    %dma_wait3A_26 = tpu.memref_squeeze %dma_wait3A_25 : memref<1x100000xf32, #tpu.memory_space<hbm>> -> memref<100000xf32, #tpu.memory_space<hbm>>
    %dma_wait3A_27 = arith.constant 0 : i32
    %dma_wait3A_28 = tpu.memref_slice %arg7[%arg1, %dma_wait3A_27] : memref<16x100000xf32, #tpu.memory_space<hbm>> -> memref<1x100000xf32, #tpu.memory_space<hbm>>
    %dma_wait3A_29 = tpu.memref_squeeze %dma_wait3A_28 : memref<1x100000xf32, #tpu.memory_space<hbm>> -> memref<100000xf32, #tpu.memory_space<hbm>>
    tpu.wait_dma2 semaphore(%arg12 : memref<!tpu.dma_semaphore, #tpu.memory_space<semaphore_mem>>) src(%dma_wait3A_29 : memref<100000xf32, #tpu.memory_space<hbm>>) dst(%arg9 : memref<100000xf32, #tpu.memory_space<vmem>>)
    %scan3A = arith.constant 0 : i32
    %scan3A_30 = arith.constant 32 : i32
    %scan3A_31 = arith.addi %scan3A, %scan3A_30 : i32
    %scan3A_32 = arith.constant 1 : i32
    scf.for %scan3A_78 = %scan3A to %scan3A_31 step %scan3A_32  : i32 {
      %mul3A_79 = arith.constant 1 : i32
      %mul3A_80 = arith.muli %scan3A_78, %mul3A_79 : i32
      %add3A_81 = arith.constant 0 : i32
      %add3A_82 = arith.addi %add3A_81, %mul3A_80 : i32
      %mul3A_83 = arith.constant 128 : i32
      %mul3A_84 = arith.muli %add3A_82, %mul3A_83 : i32
      %add3A_85 = arith.constant 0 : i32
      %add3A_86 = arith.addi %add3A_85, %mul3A_84 : i32
      %mul3A_87 = arith.constant 128 : i32
      %mul3A_88 = arith.muli %add3A_82, %mul3A_87 : i32
      %add3A_89 = arith.constant 0 : i32
      %add3A_90 = arith.addi %add3A_89, %mul3A_88 : i32
      %add3A_91 = arith.constant 0 : i32
      %add3A_92 = arith.addi %add3A_86, %add3A_91 : i32
      %get3A = arith.index_cast %add3A_92 : i32 to index
      %get3A_93 = tpu.vector_load %arg10[%get3A] {strides = array<i32>} : memref<16384xi32, #tpu.memory_space<vmem>>, vector<16xi32>,
      %add3A_94 = arith.constant 16 : i32
      %add3A_95 = arith.addi %add3A_86, %add3A_94 : i32
      %get3A_96 = arith.index_cast %add3A_95 : i32 to index
      %get3A_97 = tpu.vector_load %arg10[%get3A_96] {strides = array<i32>} : memref<16384xi32, #tpu.memory_space<vmem>>, vector<16xi32>,
      %add3A_98 = arith.constant 32 : i32
      %add3A_99 = arith.addi %add3A_86, %add3A_98 : i32
      %get3A_100 = arith.index_cast %add3A_99 : i32 to index
      %get3A_101 = tpu.vector_load %arg10[%get3A_100] {strides = array<i32>} : memref<16384xi32, #tpu.memory_space<vmem>>, vector<16xi32>,
      %add3A_102 = arith.constant 48 : i32
      %add3A_103 = arith.addi %add3A_86, %add3A_102 : i32
      %get3A_104 = arith.index_cast %add3A_103 : i32 to index
      %get3A_105 = tpu.vector_load %arg10[%get3A_104] {strides = array<i32>} : memref<16384xi32, #tpu.memory_space<vmem>>, vector<16xi32>,
      %add3A_106 = arith.constant 64 : i32
      %add3A_107 = arith.addi %add3A_86, %add3A_106 : i32
      %get3A_108 = arith.index_cast %add3A_107 : i32 to index
      %get3A_109 = tpu.vector_load %arg10[%get3A_108] {strides = array<i32>} : memref<16384xi32, #tpu.memory_space<vmem>>, vector<16xi32>,
      %add3A_110 = arith.constant 80 : i32
      %add3A_111 = arith.addi %add3A_86, %add3A_110 : i32
      %get3A_112 = arith.index_cast %add3A_111 : i32 to index
      %get3A_113 = tpu.vector_load %arg10[%get3A_112] {strides = array<i32>} : memref<16384xi32, #tpu.memory_space<vmem>>, vector<16xi32>,
      %add3A_114 = arith.constant 96 : i32
      %add3A_115 = arith.addi %add3A_86, %add3A_114 : i32
      %get3A_116 = arith.index_cast %add3A_115 : i32 to index
      %get3A_117 = tpu.vector_load %arg10[%get3A_116] {strides = array<i32>} : memref<16384xi32, #tpu.memory_space<vmem>>, vector<16xi32>,
      %add3A_118 = arith.constant 112 : i32
      %add3A_119 = arith.addi %add3A_86, %add3A_118 : i32
      %get3A_120 = arith.index_cast %add3A_119 : i32 to index
      %get3A_121 = tpu.vector_load %arg10[%get3A_120] {strides = array<i32>} : memref<16384xi32, #tpu.memory_space<vmem>>, vector<16xi32>,
      %gather3A = tpu.vector_load_idx %arg9[%get3A_93] : memref<100000xf32, #tpu.memory_space<vmem>>[vector<16xi32>], vector<16xf32>,
      %gather3A_122 = tpu.vector_load_idx %arg9[%get3A_97] : memref<100000xf32, #tpu.memory_space<vmem>>[vector<16xi32>], vector<16xf32>,
      %gather3A_123 = tpu.vector_load_idx %arg9[%get3A_101] : memref<100000xf32, #tpu.memory_space<vmem>>[vector<16xi32>], vector<16xf32>,
      %gather3A_124 = tpu.vector_load_idx %arg9[%get3A_105] : memref<100000xf32, #tpu.memory_space<vmem>>[vector<16xi32>], vector<16xf32>,
      %gather3A_125 = tpu.vector_load_idx %arg9[%get3A_109] : memref<100000xf32, #tpu.memory_space<vmem>>[vector<16xi32>], vector<16xf32>,
      %gather3A_126 = tpu.vector_load_idx %arg9[%get3A_113] : memref<100000xf32, #tpu.memory_space<vmem>>[vector<16xi32>], vector<16xf32>,
      %gather3A_127 = tpu.vector_load_idx %arg9[%get3A_117] : memref<100000xf32, #tpu.memory_space<vmem>>[vector<16xi32>], vector<16xf32>,
      %gather3A_128 = tpu.vector_load_idx %arg9[%get3A_121] : memref<100000xf32, #tpu.memory_space<vmem>>[vector<16xi32>], vector<16xf32>,
      %add3A_129 = arith.constant 0 : i32
      %add3A_130 = arith.addi %add3A_90, %add3A_129 : i32
      %swap3A = arith.index_cast %add3A_130 : i32 to index
      %swap3A_131 = tpu.vector_load %arg11[%swap3A] {strides = array<i32>} : memref<8192xf32, #tpu.memory_space<vmem>>, vector<16xf32>,
      tpu.vector_store %arg11[%swap3A], %gather3A {strides = array<i32>} : memref<8192xf32, #tpu.memory_space<vmem>>, vector<16xf32>,
      %add3A_132 = arith.constant 16 : i32
      %add3A_133 = arith.addi %add3A_90, %add3A_132 : i32
      %swap3A_134 = arith.index_cast %add3A_133 : i32 to index
      %swap3A_135 = tpu.vector_load %arg11[%swap3A_134] {strides = array<i32>} : memref<8192xf32, #tpu.memory_space<vmem>>, vector<16xf32>,
      tpu.vector_store %arg11[%swap3A_134], %gather3A_122 {strides = array<i32>} : memref<8192xf32, #tpu.memory_space<vmem>>, vector<16xf32>,
      %add3A_136 = arith.constant 32 : i32
      %add3A_137 = arith.addi %add3A_90, %add3A_136 : i32
      %swap3A_138 = arith.index_cast %add3A_137 : i32 to index
      %swap3A_139 = tpu.vector_load %arg11[%swap3A_138] {strides = array<i32>} : memref<8192xf32, #tpu.memory_space<vmem>>, vector<16xf32>,
      tpu.vector_store %arg11[%swap3A_138], %gather3A_123 {strides = array<i32>} : memref<8192xf32, #tpu.memory_space<vmem>>, vector<16xf32>,
      %add3A_140 = arith.constant 48 : i32
      %add3A_141 = arith.addi %add3A_90, %add3A_140 : i32
      %swap3A_142 = arith.index_cast %add3A_141 : i32 to index
      %swap3A_143 = tpu.vector_load %arg11[%swap3A_142] {strides = array<i32>} : memref<8192xf32, #tpu.memory_space<vmem>>, vector<16xf32>,
      tpu.vector_store %arg11[%swap3A_142], %gather3A_124 {strides = array<i32>} : memref<8192xf32, #tpu.memory_space<vmem>>, vector<16xf32>,
      %add3A_144 = arith.constant 64 : i32
      %add3A_145 = arith.addi %add3A_90, %add3A_144 : i32
      %swap3A_146 = arith.index_cast %add3A_145 : i32 to index
      %swap3A_147 = tpu.vector_load %arg11[%swap3A_146] {strides = array<i32>} : memref<8192xf32, #tpu.memory_space<vmem>>, vector<16xf32>,
      tpu.vector_store %arg11[%swap3A_146], %gather3A_125 {strides = array<i32>} : memref<8192xf32, #tpu.memory_space<vmem>>, vector<16xf32>,
      %add3A_148 = arith.constant 80 : i32
      %add3A_149 = arith.addi %add3A_90, %add3A_148 : i32
      %swap3A_150 = arith.index_cast %add3A_149 : i32 to index
      %swap3A_151 = tpu.vector_load %arg11[%swap3A_150] {strides = array<i32>} : memref<8192xf32, #tpu.memory_space<vmem>>, vector<16xf32>,
      tpu.vector_store %arg11[%swap3A_150], %gather3A_126 {strides = array<i32>} : memref<8192xf32, #tpu.memory_space<vmem>>, vector<16xf32>,
      %add3A_152 = arith.constant 96 : i32
      %add3A_153 = arith.addi %add3A_90, %add3A_152 : i32
      %swap3A_154 = arith.index_cast %add3A_153 : i32 to index
      %swap3A_155 = tpu.vector_load %arg11[%swap3A_154] {strides = array<i32>} : memref<8192xf32, #tpu.memory_space<vmem>>, vector<16xf32>,
      tpu.vector_store %arg11[%swap3A_154], %gather3A_127 {strides = array<i32>} : memref<8192xf32, #tpu.memory_space<vmem>>, vector<16xf32>,
      %add3A_156 = arith.constant 112 : i32
      %add3A_157 = arith.addi %add3A_90, %add3A_156 : i32
      %swap3A_158 = arith.index_cast %add3A_157 : i32 to index
      %swap3A_159 = tpu.vector_load %arg11[%swap3A_158] {strides = array<i32>} : memref<8192xf32, #tpu.memory_space<vmem>>, vector<16xf32>,
      tpu.vector_store %arg11[%swap3A_158], %gather3A_128 {strides = array<i32>} : memref<8192xf32, #tpu.memory_space<vmem>>, vector<16xf32>,
    }
    %scan3A_33 = arith.constant 32 : i32
    %add3A = arith.constant 32 : i32
    %add3A_34 = arith.addi %add3A, %arg1 : i32
    %add3A_35 = arith.constant 0 : i32
    %add3A_36 = arith.addi %mul3A_7, %add3A_35 : i32
    %dma_start3A_37 = arith.constant 0 : i32
    %dma_start3A_38 = tpu.memref_slice %arg11[%dma_start3A_37] : memref<8192xf32, #tpu.memory_space<vmem>> -> memref<4096xf32, #tpu.memory_space<vmem>>
    %dma_start3A_39 = tpu.memref_slice %arg8[%add3A_34, %add3A_36] : memref<48x16384xf32, #tpu.memory_space<hbm>> -> memref<1x4096xf32, #tpu.memory_space<hbm>>
    %dma_start3A_40 = tpu.memref_squeeze %dma_start3A_39 : memref<1x4096xf32, #tpu.memory_space<hbm>> -> memref<4096xf32, #tpu.memory_space<hbm>>
    %dma_start3A_41 = tpu.memref_slice %arg8[%add3A_34, %add3A_36] : memref<48x16384xf32, #tpu.memory_space<hbm>> -> memref<1x4096xf32, #tpu.memory_space<hbm>>
    %dma_start3A_42 = tpu.memref_squeeze %dma_start3A_41 : memref<1x4096xf32, #tpu.memory_space<hbm>> -> memref<4096xf32, #tpu.memory_space<hbm>>
    %dma_start3A_43 = arith.constant 0 : i32
    %dma_start3A_44 = tpu.memref_slice %arg11[%dma_start3A_43] : memref<8192xf32, #tpu.memory_space<vmem>> -> memref<4096xf32, #tpu.memory_space<vmem>>
    tpu.enqueue_dma source(%dma_start3A_44 : memref<4096xf32, #tpu.memory_space<vmem>>) target(%dma_start3A_42 : memref<4096xf32, #tpu.memory_space<hbm>>) target_semaphore(%arg14 : memref<!tpu.dma_semaphore, #tpu.memory_space<semaphore_mem>>)
    %scan3A_45 = arith.constant 0 : i32
    %scan3A_46 = arith.constant 32 : i32
    %scan3A_47 = arith.addi %scan3A_45, %scan3A_46 : i32
    %scan3A_48 = arith.constant 1 : i32
    scf.for %scan3A_78 = %scan3A_45 to %scan3A_47 step %scan3A_48  : i32 {
      %mul3A_79 = arith.constant 1 : i32
      %mul3A_80 = arith.muli %scan3A_78, %mul3A_79 : i32
      %add3A_81 = arith.constant 0 : i32
      %add3A_82 = arith.addi %add3A_81, %mul3A_80 : i32
      %mul3A_83 = arith.constant 128 : i32
      %mul3A_84 = arith.muli %add3A_82, %mul3A_83 : i32
      %add3A_85 = arith.constant 4096 : i32
      %add3A_86 = arith.addi %add3A_85, %mul3A_84 : i32
      %mul3A_87 = arith.constant 128 : i32
      %mul3A_88 = arith.muli %add3A_82, %mul3A_87 : i32
      %add3A_89 = arith.constant 4096 : i32
      %add3A_90 = arith.addi %add3A_89, %mul3A_88 : i32
      %add3A_91 = arith.constant 0 : i32
      %add3A_92 = arith.addi %add3A_86, %add3A_91 : i32
      %get3A = arith.index_cast %add3A_92 : i32 to index
      %get3A_93 = tpu.vector_load %arg10[%get3A] {strides = array<i32>} : memref<16384xi32, #tpu.memory_space<vmem>>, vector<16xi32>,
      %add3A_94 = arith.constant 16 : i32
      %add3A_95 = arith.addi %add3A_86, %add3A_94 : i32
      %get3A_96 = arith.index_cast %add3A_95 : i32 to index
      %get3A_97 = tpu.vector_load %arg10[%get3A_96] {strides = array<i32>} : memref<16384xi32, #tpu.memory_space<vmem>>, vector<16xi32>,
      %add3A_98 = arith.constant 32 : i32
      %add3A_99 = arith.addi %add3A_86, %add3A_98 : i32
      %get3A_100 = arith.index_cast %add3A_99 : i32 to index
      %get3A_101 = tpu.vector_load %arg10[%get3A_100] {strides = array<i32>} : memref<16384xi32, #tpu.memory_space<vmem>>, vector<16xi32>,
      %add3A_102 = arith.constant 48 : i32
      %add3A_103 = arith.addi %add3A_86, %add3A_102 : i32
      %get3A_104 = arith.index_cast %add3A_103 : i32 to index
      %get3A_105 = tpu.vector_load %arg10[%get3A_104] {strides = array<i32>} : memref<16384xi32, #tpu.memory_space<vmem>>, vector<16xi32>,
      %add3A_106 = arith.constant 64 : i32
      %add3A_107 = arith.addi %add3A_86, %add3A_106 : i32
      %get3A_108 = arith.index_cast %add3A_107 : i32 to index
      %get3A_109 = tpu.vector_load %arg10[%get3A_108] {strides = array<i32>} : memref<16384xi32, #tpu.memory_space<vmem>>, vector<16xi32>,
      %add3A_110 = arith.constant 80 : i32
      %add3A_111 = arith.addi %add3A_86, %add3A_110 : i32
      %get3A_112 = arith.index_cast %add3A_111 : i32 to index
      %get3A_113 = tpu.vector_load %arg10[%get3A_112] {strides = array<i32>} : memref<16384xi32, #tpu.memory_space<vmem>>, vector<16xi32>,
      %add3A_114 = arith.constant 96 : i32
      %add3A_115 = arith.addi %add3A_86, %add3A_114 : i32
      %get3A_116 = arith.index_cast %add3A_115 : i32 to index
      %get3A_117 = tpu.vector_load %arg10[%get3A_116] {strides = array<i32>} : memref<16384xi32, #tpu.memory_space<vmem>>, vector<16xi32>,
      %add3A_118 = arith.constant 112 : i32
      %add3A_119 = arith.addi %add3A_86, %add3A_118 : i32
      %get3A_120 = arith.index_cast %add3A_119 : i32 to index
      %get3A_121 = tpu.vector_load %arg10[%get3A_120] {strides = array<i32>} : memref<16384xi32, #tpu.memory_space<vmem>>, vector<16xi32>,
      %gather3A = tpu.vector_load_idx %arg9[%get3A_93] : memref<100000xf32, #tpu.memory_space<vmem>>[vector<16xi32>], vector<16xf32>,
      %gather3A_122 = tpu.vector_load_idx %arg9[%get3A_97] : memref<100000xf32, #tpu.memory_space<vmem>>[vector<16xi32>], vector<16xf32>,
      %gather3A_123 = tpu.vector_load_idx %arg9[%get3A_101] : memref<100000xf32, #tpu.memory_space<vmem>>[vector<16xi32>], vector<16xf32>,
      %gather3A_124 = tpu.vector_load_idx %arg9[%get3A_105] : memref<100000xf32, #tpu.memory_space<vmem>>[vector<16xi32>], vector<16xf32>,
      %gather3A_125 = tpu.vector_load_idx %arg9[%get3A_109] : memref<100000xf32, #tpu.memory_space<vmem>>[vector<16xi32>], vector<16xf32>,
      %gather3A_126 = tpu.vector_load_idx %arg9[%get3A_113] : memref<100000xf32, #tpu.memory_space<vmem>>[vector<16xi32>], vector<16xf32>,
      %gather3A_127 = tpu.vector_load_idx %arg9[%get3A_117] : memref<100000xf32, #tpu.memory_space<vmem>>[vector<16xi32>], vector<16xf32>,
      %gather3A_128 = tpu.vector_load_idx %arg9[%get3A_121] : memref<100000xf32, #tpu.memory_space<vmem>>[vector<16xi32>], vector<16xf32>,
      %add3A_129 = arith.constant 0 : i32
      %add3A_130 = arith.addi %add3A_90, %add3A_129 : i32
      %swap3A = arith.index_cast %add3A_130 : i32 to index
      %swap3A_131 = tpu.vector_load %arg11[%swap3A] {strides = array<i32>} : memref<8192xf32, #tpu.memory_space<vmem>>, vector<16xf32>,
      tpu.vector_store %arg11[%swap3A], %gather3A {strides = array<i32>} : memref<8192xf32, #tpu.memory_space<vmem>>, vector<16xf32>,
      %add3A_132 = arith.constant 16 : i32
      %add3A_133 = arith.addi %add3A_90, %add3A_132 : i32
      %swap3A_134 = arith.index_cast %add3A_133 : i32 to index
      %swap3A_135 = tpu.vector_load %arg11[%swap3A_134] {strides = array<i32>} : memref<8192xf32, #tpu.memory_space<vmem>>, vector<16xf32>,
      tpu.vector_store %arg11[%swap3A_134], %gather3A_122 {strides = array<i32>} : memref<8192xf32, #tpu.memory_space<vmem>>, vector<16xf32>,
      %add3A_136 = arith.constant 32 : i32
      %add3A_137 = arith.addi %add3A_90, %add3A_136 : i32
      %swap3A_138 = arith.index_cast %add3A_137 : i32 to index
      %swap3A_139 = tpu.vector_load %arg11[%swap3A_138] {strides = array<i32>} : memref<8192xf32, #tpu.memory_space<vmem>>, vector<16xf32>,
      tpu.vector_store %arg11[%swap3A_138], %gather3A_123 {strides = array<i32>} : memref<8192xf32, #tpu.memory_space<vmem>>, vector<16xf32>,
      %add3A_140 = arith.constant 48 : i32
      %add3A_141 = arith.addi %add3A_90, %add3A_140 : i32
      %swap3A_142 = arith.index_cast %add3A_141 : i32 to index
      %swap3A_143 = tpu.vector_load %arg11[%swap3A_142] {strides = array<i32>} : memref<8192xf32, #tpu.memory_space<vmem>>, vector<16xf32>,
      tpu.vector_store %arg11[%swap3A_142], %gather3A_124 {strides = array<i32>} : memref<8192xf32, #tpu.memory_space<vmem>>, vector<16xf32>,
      %add3A_144 = arith.constant 64 : i32
      %add3A_145 = arith.addi %add3A_90, %add3A_144 : i32
      %swap3A_146 = arith.index_cast %add3A_145 : i32 to index
      %swap3A_147 = tpu.vector_load %arg11[%swap3A_146] {strides = array<i32>} : memref<8192xf32, #tpu.memory_space<vmem>>, vector<16xf32>,
      tpu.vector_store %arg11[%swap3A_146], %gather3A_125 {strides = array<i32>} : memref<8192xf32, #tpu.memory_space<vmem>>, vector<16xf32>,
      %add3A_148 = arith.constant 80 : i32
      %add3A_149 = arith.addi %add3A_90, %add3A_148 : i32
      %swap3A_150 = arith.index_cast %add3A_149 : i32 to index
      %swap3A_151 = tpu.vector_load %arg11[%swap3A_150] {strides = array<i32>} : memref<8192xf32, #tpu.memory_space<vmem>>, vector<16xf32>,
      tpu.vector_store %arg11[%swap3A_150], %gather3A_126 {strides = array<i32>} : memref<8192xf32, #tpu.memory_space<vmem>>, vector<16xf32>,
      %add3A_152 = arith.constant 96 : i32
      %add3A_153 = arith.addi %add3A_90, %add3A_152 : i32
      %swap3A_154 = arith.index_cast %add3A_153 : i32 to index
      %swap3A_155 = tpu.vector_load %arg11[%swap3A_154] {strides = array<i32>} : memref<8192xf32, #tpu.memory_space<vmem>>, vector<16xf32>,
      tpu.vector_store %arg11[%swap3A_154], %gather3A_127 {strides = array<i32>} : memref<8192xf32, #tpu.memory_space<vmem>>, vector<16xf32>,
      %add3A_156 = arith.constant 112 : i32
      %add3A_157 = arith.addi %add3A_90, %add3A_156 : i32
      %swap3A_158 = arith.index_cast %add3A_157 : i32 to index
      %swap3A_159 = tpu.vector_load %arg11[%swap3A_158] {strides = array<i32>} : memref<8192xf32, #tpu.memory_space<vmem>>, vector<16xf32>,
      tpu.vector_store %arg11[%swap3A_158], %gather3A_128 {strides = array<i32>} : memref<8192xf32, #tpu.memory_space<vmem>>, vector<16xf32>,
    }
    %scan3A_49 = arith.constant 32 : i32
    %add3A_50 = arith.constant 32 : i32
    %add3A_51 = arith.addi %add3A_50, %arg1 : i32
    %add3A_52 = arith.constant 4096 : i32
    %add3A_53 = arith.addi %mul3A_7, %add3A_52 : i32
    %dma_start3A_54 = arith.constant 4096 : i32
    %dma_start3A_55 = tpu.memref_slice %arg11[%dma_start3A_54] : memref<8192xf32, #tpu.memory_space<vmem>> -> memref<4096xf32, #tpu.memory_space<vmem>>
    %dma_start3A_56 = tpu.memref_slice %arg8[%add3A_51, %add3A_53] : memref<48x16384xf32, #tpu.memory_space<hbm>> -> memref<1x4096xf32, #tpu.memory_space<hbm>>
    %dma_start3A_57 = tpu.memref_squeeze %dma_start3A_56 : memref<1x4096xf32, #tpu.memory_space<hbm>> -> memref<4096xf32, #tpu.memory_space<hbm>>
    %dma_start3A_58 = tpu.memref_slice %arg8[%add3A_51, %add3A_53] : memref<48x16384xf32, #tpu.memory_space<hbm>> -> memref<1x4096xf32, #tpu.memory_space<hbm>>
    %dma_start3A_59 = tpu.memref_squeeze %dma_start3A_58 : memref<1x4096xf32, #tpu.memory_space<hbm>> -> memref<4096xf32, #tpu.memory_space<hbm>>
    %dma_start3A_60 = arith.constant 4096 : i32
    %dma_start3A_61 = tpu.memref_slice %arg11[%dma_start3A_60] : memref<8192xf32, #tpu.memory_space<vmem>> -> memref<4096xf32, #tpu.memory_space<vmem>>
    tpu.enqueue_dma source(%dma_start3A_61 : memref<4096xf32, #tpu.memory_space<vmem>>) target(%dma_start3A_59 : memref<4096xf32, #tpu.memory_space<hbm>>) target_semaphore(%arg14 : memref<!tpu.dma_semaphore, #tpu.memory_space<semaphore_mem>>)
    %dma_wait3A_62 = arith.constant 0 : i32
    %dma_wait3A_63 = tpu.memref_slice %arg11[%dma_wait3A_62] : memref<8192xf32, #tpu.memory_space<vmem>> -> memref<4096xf32, #tpu.memory_space<vmem>>
    %dma_wait3A_64 = tpu.memref_slice %arg8[%add3A_34, %add3A_36] : memref<48x16384xf32, #tpu.memory_space<hbm>> -> memref<1x4096xf32, #tpu.memory_space<hbm>>
    %dma_wait3A_65 = tpu.memref_squeeze %dma_wait3A_64 : memref<1x4096xf32, #tpu.memory_space<hbm>> -> memref<4096xf32, #tpu.memory_space<hbm>>
    %dma_wait3A_66 = tpu.memref_slice %arg8[%add3A_34, %add3A_36] : memref<48x16384xf32, #tpu.memory_space<hbm>> -> memref<1x4096xf32, #tpu.memory_space<hbm>>
    %dma_wait3A_67 = tpu.memref_squeeze %dma_wait3A_66 : memref<1x4096xf32, #tpu.memory_space<hbm>> -> memref<4096xf32, #tpu.memory_space<hbm>>
    %dma_wait3A_68 = arith.constant 0 : i32
    %dma_wait3A_69 = tpu.memref_slice %arg11[%dma_wait3A_68] : memref<8192xf32, #tpu.memory_space<vmem>> -> memref<4096xf32, #tpu.memory_space<vmem>>
    tpu.wait_dma2 semaphore(%arg14 : memref<!tpu.dma_semaphore, #tpu.memory_space<semaphore_mem>>) src(%dma_wait3A_69 : memref<4096xf32, #tpu.memory_space<vmem>>) dst(%dma_wait3A_67 : memref<4096xf32, #tpu.memory_space<hbm>>)
    %dma_wait3A_70 = arith.constant 4096 : i32
    %dma_wait3A_71 = tpu.memref_slice %arg11[%dma_wait3A_70] : memref<8192xf32, #tpu.memory_space<vmem>> -> memref<4096xf32, #tpu.memory_space<vmem>>
    %dma_wait3A_72 = tpu.memref_slice %arg8[%add3A_51, %add3A_53] : memref<48x16384xf32, #tpu.memory_space<hbm>> -> memref<1x4096xf32, #tpu.memory_space<hbm>>
    %dma_wait3A_73 = tpu.memref_squeeze %dma_wait3A_72 : memref<1x4096xf32, #tpu.memory_space<hbm>> -> memref<4096xf32, #tpu.memory_space<hbm>>
    %dma_wait3A_74 = tpu.memref_slice %arg8[%add3A_51, %add3A_53] : memref<48x16384xf32, #tpu.memory_space<hbm>> -> memref<1x4096xf32, #tpu.memory_space<hbm>>
    %dma_wait3A_75 = tpu.memref_squeeze %dma_wait3A_74 : memref<1x4096xf32, #tpu.memory_space<hbm>> -> memref<4096xf32, #tpu.memory_space<hbm>>
    %dma_wait3A_76 = arith.constant 4096 : i32
    %dma_wait3A_77 = tpu.memref_slice %arg11[%dma_wait3A_76] : memref<8192xf32, #tpu.memory_space<vmem>> -> memref<4096xf32, #tpu.memory_space<vmem>>
    tpu.wait_dma2 semaphore(%arg14 : memref<!tpu.dma_semaphore, #tpu.memory_space<semaphore_mem>>) src(%dma_wait3A_77 : memref<4096xf32, #tpu.memory_space<vmem>>) dst(%dma_wait3A_75 : memref<4096xf32, #tpu.memory_space<hbm>>)
    return
  }
}

module attributes {stable_mosaic.version = 14 : i64} {
  func.func @_mlp_body(%arg0: i32, %arg1: memref<48x4096xf32, #tpu.memory_space<vmem>>, %arg2: memref<128x48xf32, #tpu.memory_space<vmem>>, %arg3: memref<128x1xf32, #tpu.memory_space<vmem>>, %arg4: memref<387x128xf32, #tpu.memory_space<vmem>>, %arg5: memref<387x1xf32, #tpu.memory_space<vmem>>, %arg6: memref<387x4096xf32, #tpu.memory_space<vmem>>) attributes {dimension_semantics = [#tpu.dimension_semantics<arbitrary>], iteration_bounds = array<i64: 4>, scalar_prefetch = 0 : i64, scratch_operands = 0 : i64, tpu.core_type = #tpu.core_type<tc>, window_params = [{transform_indices = @transform_0, window_bounds = array<i64: 48, 4096>}, {pipeline_mode = #tpu.pipeline_mode<synchronous>, transform_indices = @transform_1, window_bounds = array<i64: 128, 48>}, {pipeline_mode = #tpu.pipeline_mode<synchronous>, transform_indices = @transform_2, window_bounds = array<i64: 128, 1>}, {pipeline_mode = #tpu.pipeline_mode<synchronous>, transform_indices = @transform_3, window_bounds = array<i64: 387, 128>}, {pipeline_mode = #tpu.pipeline_mode<synchronous>, transform_indices = @transform_4, window_bounds = array<i64: 387, 1>}, {transform_indices = @transform_5, window_bounds = array<i64: 387, 4096>}]} {
    %get3A = arith.constant 0 : index
    %get3A_0 = arith.constant 0 : index
    %get3A_1 = vector.load %arg1[%get3A, %get3A_0] : memref<48x4096xf32, #tpu.memory_space<vmem>>, vector<48x4096xf32>
    %get3A_2 = arith.constant 0 : index
    %get3A_3 = arith.constant 0 : index
    %get3A_4 = vector.load %arg2[%get3A_2, %get3A_3] : memref<128x48xf32, #tpu.memory_space<vmem>>, vector<128x48xf32>
    %dot_general3A = arith.constant dense<0.000000e+00> : vector<128x4096xf32>
    %dot_general3A_5 = tpu.matmul %get3A_4, %get3A_1, %dot_general3A {dimension_numbers = #tpu.dot_dimension_numbers<[1], [0], [0], [1], [0, 0, 1, 1], [], []>, transpose_lhs_hint = false} : vector<128x48xf32>, vector<48x4096xf32>, vector<128x4096xf32> -> vector<128x4096xf32>
    %get3A_6 = arith.constant 0 : index
    %get3A_7 = arith.constant 0 : index
    %get3A_8 = vector.load %arg3[%get3A_6, %get3A_7] : memref<128x1xf32, #tpu.memory_space<vmem>>, vector<128x1xf32>
    %add3A = vector.broadcast %get3A_8 : vector<128x1xf32> to vector<128x4096xf32>
    %add3A_9 = arith.addf %dot_general3A_5, %add3A : vector<128x4096xf32>
    %max3A = arith.constant 0.000000e+00 : f32
    %max3A_10 = vector.broadcast %max3A : f32 to vector<128x4096xf32>
    %max3A_11 = arith.maximumf %add3A_9, %max3A_10 : vector<128x4096xf32>
    %get3A_12 = arith.constant 0 : index
    %get3A_13 = arith.constant 0 : index
    %get3A_14 = vector.load %arg4[%get3A_12, %get3A_13] : memref<387x128xf32, #tpu.memory_space<vmem>>, vector<387x128xf32>
    %dot_general3A_15 = arith.constant dense<0.000000e+00> : vector<387x4096xf32>
    %dot_general3A_16 = tpu.matmul %get3A_14, %max3A_11, %dot_general3A_15 {dimension_numbers = #tpu.dot_dimension_numbers<[1], [0], [0], [1], [0, 0, 1, 1], [], []>, transpose_lhs_hint = false} : vector<387x128xf32>, vector<128x4096xf32>, vector<387x4096xf32> -> vector<387x4096xf32>
    %get3A_17 = arith.constant 0 : index
    %get3A_18 = arith.constant 0 : index
    %get3A_19 = vector.load %arg5[%get3A_17, %get3A_18] : memref<387x1xf32, #tpu.memory_space<vmem>>, vector<387x1xf32>
    %add3A_20 = vector.broadcast %get3A_19 : vector<387x1xf32> to vector<387x4096xf32>
    %add3A_21 = arith.addf %dot_general3A_16, %add3A_20 : vector<387x4096xf32>
    %reduce_max3A = arith.constant dense<0xFF800000> : vector<4096xf32>
    %reduce_max3A_22 = vector.multi_reduction <maximumf>, %add3A_21, %reduce_max3A [0] : vector<387x4096xf32> to vector<4096xf32>
    %broadcast_in_dim3A = vector.shape_cast %reduce_max3A_22 : vector<4096xf32> to vector<1x4096xf32>
    %sub3A = vector.broadcast %broadcast_in_dim3A : vector<1x4096xf32> to vector<387x4096xf32>
    %sub3A_23 = arith.subf %add3A_21, %sub3A : vector<387x4096xf32>
    %exp3A = math.exp %sub3A_23 : vector<387x4096xf32>
    %reduce_sum3A = arith.constant dense<0.000000e+00> : vector<4096xf32>
    %reduce_sum3A_24 = vector.multi_reduction <add>, %exp3A, %reduce_sum3A [0] : vector<387x4096xf32> to vector<4096xf32>
    %broadcast_in_dim3A_25 = vector.shape_cast %reduce_sum3A_24 : vector<4096xf32> to vector<1x4096xf32>
    %div3A = vector.broadcast %broadcast_in_dim3A_25 : vector<1x4096xf32> to vector<387x4096xf32>
    %div3A_26 = arith.divf %exp3A, %div3A : vector<387x4096xf32>
    %swap3A = arith.constant 0 : index
    %swap3A_27 = arith.constant 0 : index
    %swap3A_28 = vector.load %arg6[%swap3A, %swap3A_27] : memref<387x4096xf32, #tpu.memory_space<vmem>>, vector<387x4096xf32>
    tpu.vector_store %arg6[%swap3A, %swap3A_27], %div3A_26 {strides = array<i32>} : memref<387x4096xf32, #tpu.memory_space<vmem>>, vector<387x4096xf32>,
    return
  }
  func.func @transform_0(%arg0: i32) -> (i32, i32) {
    %c0_i32 = arith.constant 0 : i32
    %c0_i32_0 = arith.constant 0 : i32
    return %c0_i32, %arg0 : i32, i32
  }
  func.func @transform_1(%arg0: i32) -> (i32, i32) {
    %c0_i32 = arith.constant 0 : i32
    %c0_i32_0 = arith.constant 0 : i32
    %c0_i32_1 = arith.constant 0 : i32
    return %c0_i32, %c0_i32_0 : i32, i32
  }
  func.func @transform_2(%arg0: i32) -> (i32, i32) {
    %c0_i32 = arith.constant 0 : i32
    %c0_i32_0 = arith.constant 0 : i32
    %c0_i32_1 = arith.constant 0 : i32
    return %c0_i32, %c0_i32_0 : i32, i32
  }
  func.func @transform_3(%arg0: i32) -> (i32, i32) {
    %c0_i32 = arith.constant 0 : i32
    %c0_i32_0 = arith.constant 0 : i32
    %c0_i32_1 = arith.constant 0 : i32
    return %c0_i32, %c0_i32_0 : i32, i32
  }
  func.func @transform_4(%arg0: i32) -> (i32, i32) {
    %c0_i32 = arith.constant 0 : i32
    %c0_i32_0 = arith.constant 0 : i32
    %c0_i32_1 = arith.constant 0 : i32
    return %c0_i32, %c0_i32_0 : i32, i32
  }
  func.func @transform_5(%arg0: i32) -> (i32, i32) {
    %c0_i32 = arith.constant 0 : i32
    %c0_i32_0 = arith.constant 0 : i32
    return %c0_i32, %arg0 : i32, i32
  }
}

</mosaic_0001>

<sc_bundles>
// kernel: kernel.4.cloned.1.call-start
scs
__scs_entry_jumppad:
0x0: {  	(pc) =	sbr.rel $0x88, $3  }
0x1: {  	(tag) =	ssettag $0x0;
	lr =	simm.s32 $0x1  }
0x2: {  	[smem:$0x3F97] =	sst lr;
	_ =	strace $0xD0000000  }
0x3: {  	_ = 	snop  }
0x4: {  	_ = 	snop  }
0x5: {  	_ = 	snop  }
0x6: {  	_ = 	snop  }
0x7: {  	_ = 	snop  }
__scs_overlays_trampoline_lowered:
0x8: {  	[smem:$0x3FA6] =	sst s0  }
0x9: {  	[smem:$0x3FA7] =	sst s1  }
0xa: {  	[smem:$0x3FA8] =	sst s2  }
0xb: {  	[smem:$0x3FA9] =	sst s3  }
0xc: {  	[smem:$0x3FAA] =	sst s4  }
0xd: {  	[smem:$0x3FAB] =	sst s5  }
0xe: {  	[smem:$0x3FAC] =	sst s6  }
0xf: {  	[smem:$0x3FAD] =	sst s7  }
0x10: {  	[smem:$0x3FAE] =	sst s8  }
0x11: {  	[smem:$0x3FAF] =	sst s9;
	s0 =	simm.s32 @!p0 $0x0  }
0x12: {  	s1 =	sld [smem:$0x3F95];
	s0 =	simm.s32 @p0 $0x1  }
0x13: {  	[smem:$0x3FB0] =	sst s0;
	s0 =	simm.s32 @!p1 $0x0  }
0x14: {  	s2 =	sld [smem:$0x3F94];
	s0 =	simm.s32 @p1 $0x1  }
0x15: {  	[smem:$0x3FB1] =	sst s0;
	s0 =	simm.s32 @!p2 $0x0  }
0x16: {  	s3 =	sld [smem:$0x3FDB];
	s0 =	simm.s32 @p2 $0x1  }
0x17: {  	s4 =	simm.s32 $0x1BF5;
	[smem:$0x3FB3] =	sst s0  }
0x18: {  	s0 =	sld [smem:$0x3F96];
	_ =	swait.ge [sflag:s4], $0x0  }
0x19: {  	s7 =	sld [smem:$0x3F97]  }
0x1a: {  	s8 =	sadd.s32 $0xFFFFE003, lr  }
0x1b: {  	s9 =	sadd.s32 $0xFFFFFEF7, lr;
	s5 =	simm.s32 $0xFFFFFFFF;
	p2 =	slt.u32 s8, $0xFFFFF086  }
0x1c: {  	p1 =	slt.u32 s9, $0xF7A;
	s5 =	simm.s32 @!p2 $0x0  }
0x1d: {  	s5 =	simm.s32 @p1 $0x1;
	p0 =	seq.s32 s7, s2  }
0x1e: {  	s7 =	smul.u32 @!p0 $0xF7A, s2;
	p2 =	seq.s32 @!p0 s5, $0x0  }
0x1f: {  	s9 =	smul.u32 $0xF7A, s1;
	s8 =	simm.s32 @!p0 $0x1BF5;
	p2 =	por !p2, p0  }
0x20: {  	[sflag:s8] =	ssyncset.s32 @!p0 $0xFFFFF086;
	s6 =	sadd.s32 @!p0 s3, s7;
	s7 =	simm.s32 @!p0 $0x108  }
0x21: {  	s3 =	sadd.s32 s3, s9;
	s6 =	sadd.s32 @!p0 $0x88, s6;
	s7 =	simm.s32 @p2 $0x1082  }
0x22: {  	[simem:s7], [sflag:s8] =	dma.local @!p0 [hbm:s6], $0xF7A  }
0x23: {  	s9 =	sor.u32 $0xD0000000, s2;
	s6 =	simm.s32 $0x108;
	_ =	swait.ge @!p0 [sflag:s8], $0x0  }
0x24: {  	s3 =	sadd.s32 $0x88, s3;
	s6 =	simm.s32 @!p1 $0x1082;
	[sflag:s4] =	ssyncset.s32 $0xFFFFF086  }
0x25: {  	[simem:s6], [sflag:s4] =	dma.local [hbm:s3], $0xF7A  }
0x26: {  	[smem:$0x3F97] =	sst s1;
	(tag) =	ssettag s2;
	_ =	strace s9  }
0x27: {  	s1 =	sld [smem:$0x3FA7]  }
0x28: {  	s2 =	sld [smem:$0x3FA8]  }
0x29: {  	s4 =	sld [smem:$0x3FAA]  }
0x2a: {  	p0 =	seq.s32 s5, $0x0;
	s5 =	sld [smem:$0x3FAB]  }
0x2b: {  	s6 =	sld [smem:$0x3FAC]  }
0x2c: {  	s7 =	sld [smem:$0x3FAD]  }
0x2d: {  	s3 =	simm.s32 $0x108;
	s8 =	sld [smem:$0x3FAE]  }
0x2e: {  	s3 =	simm.s32 @!p0 $0x1082;
	s9 =	sld [smem:$0x3FAF]  }
0x2f: {  	lr =	sadd.s32 s0, s3;
	s0 =	sld [smem:$0x3FA6]  }
0x30: {  	s3 =	sld [smem:$0x3FA9]  }
0x31: {  	[smem:$0x3FB2] =	sst s10  }
0x32: {  	s10 =	sld [smem:$0x3FB0];
	_ =	sdelay $0x3  }
0x33: {  	p0 =	seq.s32 s10, $0x1;
	s10 =	sld [smem:$0x3FB2];
	_ =	sdelay $0x3  }
0x34: {  	[smem:$0x3FB2] =	sst s10  }
0x35: {  	s10 =	sld [smem:$0x3FB1];
	_ =	sdelay $0x3  }
0x36: {  	p1 =	seq.s32 s10, $0x1;
	s10 =	sld [smem:$0x3FB2];
	_ =	sdelay $0x3  }
0x37: {  	[smem:$0x3FB2] =	sst s10  }
0x38: {  	s10 =	sld [smem:$0x3FB3]  }
0x39: {  	_ = 	snop;
	(pc) =	sbr.ind lr, $3  }
0x3a: {  	_ = 	snop  }
0x3b: {  	_ = 	snop  }
0x3c: {  	p2 =	seq.s32 s10, $0x1;
	s10 =	sld [smem:$0x3FB2]  }
0x3d: {  	_ =	shalt  }
0x3e: {  	_ =	shalt  }
0x3f: {  	_ =	shalt  }
0x40: {  	_ =	shalt  }
0x41: {  	_ =	shalt  }
0x42: {  	_ =	shalt  }
0x43: {  	_ =	shalt  }
0x44: {  	_ =	shalt  }
0x45: {  	_ =	shalt  }
0x46: {  	_ =	shalt  }
0x47: {  	_ =	shalt  }
0x48: {  	_ =	shalt  }
0x49: {  	_ =	shalt  }
0x4a: {  	_ =	shalt  }
0x4b: {  	_ =	shalt  }
0x4c: {  	_ =	shalt  }
0x4d: {  	_ =	shalt  }
0x4e: {  	_ =	shalt  }
0x4f: {  	_ =	shalt  }
0x50: {  	_ =	shalt  }
0x51: {  	_ =	shalt  }
0x52: {  	_ =	shalt  }
0x53: {  	_ =	shalt  }
0x54: {  	_ =	shalt  }
0x55: {  	_ =	shalt  }
0x56: {  	_ =	shalt  }
0x57: {  	_ =	shalt  }
0x58: {  	_ =	shalt  }
0x59: {  	_ =	shalt  }
0x5a: {  	_ =	shalt  }
0x5b: {  	_ =	shalt  }
0x5c: {  	_ =	shalt  }
0x5d: {  	_ =	shalt  }
0x5e: {  	_ =	shalt  }
0x5f: {  	_ =	shalt  }
0x60: {  	_ =	shalt  }
0x61: {  	_ =	shalt  }
0x62: {  	_ =	shalt  }
0x63: {  	_ =	shalt  }
0x64: {  	_ =	shalt  }
0x65: {  	_ =	shalt  }
0x66: {  	_ =	shalt  }
0x67: {  	_ =	shalt  }
0x68: {  	_ =	shalt  }
0x69: {  	_ =	shalt  }
0x6a: {  	_ =	shalt  }
0x6b: {  	_ =	shalt  }
0x6c: {  	_ =	shalt  }
0x6d: {  	_ =	shalt  }
0x6e: {  	_ =	shalt  }
0x6f: {  	_ =	shalt  }
0x70: {  	_ =	shalt  }
0x71: {  	_ =	shalt  }
0x72: {  	_ =	shalt  }
0x73: {  	_ =	shalt  }
0x74: {  	_ =	shalt  }
0x75: {  	_ =	shalt  }
0x76: {  	_ =	shalt  }
0x77: {  	_ =	shalt  }
0x78: {  	_ =	shalt  }
0x79: {  	_ =	shalt  }
0x7a: {  	_ =	shalt  }
0x7b: {  	_ =	shalt  }
0x7c: {  	_ =	shalt  }
0x7d: {  	_ =	shalt  }
0x7e: {  	_ =	shalt  }
0x7f: {  	_ =	shalt  }
0x80: {  	_ =	shalt  }
0x81: {  	_ =	shalt  }
0x82: {  	_ =	shalt  }
0x83: {  	_ =	shalt  }
0x84: {  	_ =	shalt  }
0x85: {  	_ =	shalt  }
0x86: {  	_ =	shalt  }
0x87: {  	_ =	shalt  }
.Lfunc_end0:
.L_simem_size_0:
called_computation_lowered:
.L_overlay_start_0:
0x88: {  	s2 =	sld [smem:$0x3FD9]  }
0x89: {  	s3 =	sld [smem:$0x3FFE];
	_ =	sdelay $0x1  }
0x8a: {  	s1 =	srdreg.scid  }
0x8b: {  	s0 =	sand.u32 $0x1, s1  }
0x8c: {  	s18 =	sshll.u32 s0, $0xA;
	s2 =	sadd.s32 s3, s2  }
0x8d: {  	s2 =	sadd.s32 s2, s18  }
0x8e: {  	[smem:$0x3FBE] =	sst s2  }
0x8f: {  	_ = 	snop  }
0x90: {  	s2 =	sld [smem:$0x3FC9]  }
0x91: {  	s19 =	sld [smem:$0x3FC8]  }
0x92: {  	s4 =	sld [smem:$0x3FC7]  }
0x93: {  	s5 =	sld [smem:$0x3FC6]  }
0x94: {  	s6 =	sld [smem:$0x3FC5]  }
0x95: {  	s7 =	sld [smem:$0x3FC4]  }
0x96: {  	s8 =	sld [smem:$0x3FD0];
	(tm) =	ssettm $0x1  }
0x97: {  	s9 =	sld [smem:$0x3FFB];
	_ =	sdelay $0x3  }
0x98: {  	_ =	strace s9  }
0x99: {  	s9 =	sld [smem:$0x3FFC];
	_ =	sdelay $0x3  }
0x9a: {  	_ =	strace s9  }
0x9b: {  	s9 =	sld [smem:$0x3FFD];
	_ =	sdelay $0x3  }
0x9c: {  	_ =	strace s9  }
0x9d: {  	_ =	strace $0x8FFFFFFF  }
0x9e: {  	s20 =	sld [smem:$0x3FDB];
	_ =	sdelay $0x1  }
0x9f: {  	s10 =	simm.s32 $_scs_section_size  }
0xa0: {  	s11 =	simm.s32 $_size__tile_overlayer_lowered;
	s12 =	simm.s32 $_tile_overlayer_lowered  }
0xa1: {  	s23 =	simm.s32 $0x1BFF;
	s22 =	sshll.u32 s12, $0x1;
	s9 =	sadd.s32 s10, s20  }
0xa2: {  	s13 =	simm.s32 $0x0;
	s21 =	sshll.u32 s11, $0x1;
	s11 =	sadd.s32 s22, s9  }
0xa3: {  	[timem:s13], [sflag:s23] =	dma.local [hbm:s11], s21  }
0xa4: {  	_ =	swait.ge [sflag:s23], s21  }
0xa5: {  	s10 =	ssub.s32 $0x0, s21;
	[sflag:s23] =	ssyncset.done $0x0  }
0xa6: {  	[sflag:s23] =	ssyncadd.s32 s10;
	_ =	sdelay $0x1  }
0xa7: {  	s24 =	simm.s32 $0x1B8B  }
0xa8: {  	_ =	swait.ge [sflag:s24], $0x1  }
0xa9: {  	[sflag:s24] =	ssyncset.done $0x0  }
0xaa: {  	s25 =	simm.s32 $0x1B8E;
	[sflag:s24] =	ssyncadd.s32 $0xFFFFFFFF  }
0xab: {  	s26 =	simm.s32 $execute0_lowered;
	[smem:$0x3FD2] =	sst s25  }
0xac: {  	s10 =	sshll.u32 s26, $0x1;
	_ =	strace $0x80000046;
	[dreg:$0x1] =	wrdreg $0xFFFFFFFF  }
0xad: {  	s28 =	simm.s32 $_size_execute0_lowered;
	s9 =	sadd.s32 s9, s10;
	[dreg:$0x0] =	wrdreg $0x0  }
0xae: {  	s10 =	sshll.u32 s28, $0x1;
	[dreg:$0x2] =	wrdreg s9  }
0xaf: {  	[dreg:$0x3] =	wrdreg s10  }
0xb0: {  	[dreg:$0x4] =	wrdreg $0xC0  }
0xb1: {  	_ =	task [dreg:s13], $0x5FFFF  }
0xb2: {  	[dreg:$0x1] =	wrdreg $0xFFFFFFFF  }
0xb3: {  	[dreg:$0x0] =	wrdreg $0x60  }
0xb4: {  	[dreg:$0x2] =	wrdreg s2  }
0xb5: {  	[dreg:$0x3] =	wrdreg s19  }
0xb6: {  	[dreg:$0x4] =	wrdreg s4  }
0xb7: {  	[dreg:$0x5] =	wrdreg s5  }
0xb8: {  	[dreg:$0x6] =	wrdreg s6  }
0xb9: {  	[dreg:$0x7] =	wrdreg s7  }
0xba: {  	[dreg:$0x8] =	wrdreg s8  }
0xbb: {  	[dreg:$0x9] =	wrdreg $0x9  }
0xbc: {  	_ =	task.clear_ibuf [dreg:s13], $0xAFFFF;
	_ =	strace $0x90000046  }
0xbd: {  	s29 =	simm.s32 $0x9;
	_ =	strace $0x80000048  }
0xbe: {  	_ =	swait.ge [sflag:s29], $0x1  }
0xbf: {  	[sflag:s29] =	ssyncadd.s32 $0xFFFFFFFF  }
0xc0: {  	_ =	strace $0x90000048  }
0xc1: {  	_ =	sfence  }
0xc2: {  	s30 =	sld [smem:$0x0];
	_ =	sdelay $0x2  }
0xc3: {  	s31 =	sshll.u32 s1, $0xD;
	s1 =	sshrl.u32 s1, $0x2  }
0xc4: {  	s3 =	sand.u32 $0x4000, s31;
	s1 =	sadd.s32 s1, s30  }
0xc5: {  	s0 =	sor.u32 s3, s0;
	s1 =	sshll.u32 s1, $0x11  }
0xc6: {  	s0 =	sor.u32 s1, s0  }
0xc7: {  	s0 =	sadd.s32 $0x8F2B, s0  }
0xc8: {  	[sflag:s0] =	ssyncadd.remote.s32 $0x1  }
0xc9: {  	_ =	sfence.sel $0xFFFF  }
0xca: {  	[dreg:$0x0] =	wrdreg $0xFFFFFFFF;
	(pc) =	sbr.abs _section_cstart, $3  }
0xcb: {  	[dreg:$0x1] =	wrdreg $0xFFFFFFFF  }
0xcc: {  	_ =	task.clear_ibuf [dreg:s13], $0x2FFFF;
	_ =	strace $0x9FFFFFFF  }
0xcd: {  	(tm) =	ssettm $0x7FFFFFFF  }
tec
execute0_lowered:
.L_overlay_start_1:
0x0: {  	(tag) =	ssettag $0x1  }
0x1: {  	s0 =	rddreg [dreg:$0x0]  }
0x2: {  	s2 =	rddreg [dreg:$0x1]  }
0x3: {  	s1 =	rddreg [dreg:$0x2]  }
0x4: {  	s5 =	rddreg [dreg:$0x3]  }
0x5: {  	s10 =	rddreg [dreg:$0x4]  }
0x6: {  	s16 =	rddreg [dreg:$0x5]  }
0x7: {  	s17 =	rddreg [dreg:$0x6]  }
0x8: {  	s4 =	simm.s32 $0x0;
	s6 =	srdreg.scid;
	s3 =	stileid.u32  }
0x9: {  	s28 =	simm.s32 $0x3;
	s29 =	simm.s32 $0x0;
	[smem:$0x7FF] =	sst s4  }
0xa: {  	s15 =	sand.u32 $0x1, s6;
	s22 =	sshrl.u32 s3, $0x3;
	s8 =	sshll.u32 s3, $0x7  }
0xb: {  	s24 =	sshll.u32 s3, $0xE;
	s20 =	sadd.s32 $0x1000, s17;
	s7 =	ssub.s32 $0x2, s15  }
0xc: {  	s9 =	smul.u32 $0xC3800, s22;
	_ =	strace $0x80000047;
	s12 =	sand.u32 $0x380, s8  }
0xd: {  	p0 =	seq.s32 s15, $0x1;
	s6 =	sshll.u32 s22, $0x11;
	s22 =	sshll.u32 s15, $0x10  }
0xe: {  	s15 =	sshll.u32 s15, $0xA;
	s11 =	sshrl.u32 s7, $0x1;
	s6 =	sor.u32 s12, s6  }
0xf: {  	s15 =	sadd.s32 s1, s15;
	s19 =	ssub.s32 s7, s11;
	s23 =	sor.u32 s12, s9  }
0x10: {  	s7 =	sor.u32 s8, s24;
	s25 =	sshrl.u32 s6, $0x3;
	s24 =	simm.s32 $0x1  }
0x11: {  	s18 =	sshrl.u32 s23, $0x3;
	s14 =	sand.u32 $0x20380, s7;
	s6 =	sadd.s32 s17, s25  }
0x12: {  	s7 =	sadd.s32 s25, s20;
	s19 =	smax.u32 s19, $0x1;
	s23 =	simm.s32 $0x2  }
0x13: {  	s25 =	simm.s32 $0x1C700;
	s5 =	sadd.s32 s5, s18;
	s26 =	sshrl.u32 s14, $0x3  }
0x14: {  	s8 =	sadd.s32 $0x2000, s6;
	s9 =	sadd.s32 $0x3000, s6;
	s10 =	sadd.s32 s10, s18  }
0x15: {  	s22 =	sor.u32 s22, s14;
	s16 =	sadd.s32 s16, s18;
	s21 =	sadd.s32 s26, s17  }
0x16: {  	s30 =	sor.u32 $0x80000, s22;
	s22 =	simm.s32 $0x400;
	s26 =	simm.s32 $0x1D700  }
0x17: {  	s11 =	sadd.s32 $0x8000, s21;
	s12 =	sadd.s32 $0x9000, s21;
	s13 =	sadd.s32 $0xA000, s21  }
0x18: {  	s14 =	sadd.s32 $0xB000, s21;
	s31 =	sshrl.u32 s30, $0x3;
	s21 =	simm.s32 $0x80  }
0x19: {  	s17 =	sadd.s32 s17, s31;
	s18 =	sadd.s32 s31, s20;
	s20 =	simm.s32 $0x18700  }
.LBB2_1:
.Ltmp0:
0x1a: {  	(pc) =	sbr.rel @!p0 .LBB2_2-.Ltmp0, $2  }
0x1b: {  	_ =	sdelay $0x2  }
0x1c: {  	s1 =	simm.s32 $0x0  }
0x1d: {  	[tilespmem:s20], [sflag:$0x2] =	stream.linear.gather [hbm4b:s2+s1], $0x4000, $0x38;
	[tilespmem:$0x1E700] =	vst v63  }
0x1e: {  	_ = 	snop  }
0x1f: {  	[tilespmem:s1], [sflag:$0x1] =	stream.strided.gather [hbm4b:s10+s21], $0x18700, s22, s21, $0x38;
	[tilespmem:$0x1E700] =	vst v63  }
0x20: {  	_ =	swait.ge [sflag:s23], $0x4000  }
0x21: {  	[sflag:s23] =	ssyncset.done $0x0  }
0x22: {  	[sflag:s23] =	ssyncadd.s32 $0xFFFFC000  }
0x23: {  	_ =	swait.ge [sflag:s24], $0x18700  }
0x24: {  	[sflag:s24] =	ssyncset.done $0x0  }
0x25: {  	s30 =	simm.s32 $0x0;
	[sflag:s24] =	ssyncadd.s32 $0xFFFE7900  }
0x26: {  	v0 =	vld [tilespmem:s30+$0x18700]  }
0x27: {  	v1 =	vld [tilespmem:s30+$0x18770]  }
0x28: {  	v2 =	vld [tilespmem:s30+$0x18710]  }
0x29: {  	v3 =	vld [tilespmem:s30+$0x18720]  }
0x2a: {  	v4 =	vld [tilespmem:s30+$0x18730]  }
0x2b: {  	v7 =	vld [tilespmem:s30+$0x18740]  }
0x2c: {  	v8 =	vld [tilespmem:s30+$0x18750]  }
0x2d: {  	v9 =	vld [tilespmem:s30+$0x18760]  }
0x2e: {  	v10 =	vld.idx.msk [tilespmem:v0+s4+$0x0], $0xffff  }
0x2f: {  	v0 =	vld.idx.msk [tilespmem:v1+s4+$0x0], $0xffff  }
0x30: {  	v6 =	vld.idx.msk [tilespmem:v2+s4+$0x0], $0xffff  }
0x31: {  	v5 =	vld.idx.msk [tilespmem:v3+s4+$0x0], $0xffff  }
0x32: {  	v4 =	vld.idx.msk [tilespmem:v4+s4+$0x0], $0xffff  }
0x33: {  	v3 =	vld.idx.msk [tilespmem:v7+s4+$0x0], $0xffff  }
0x34: {  	v2 =	vld.idx.msk [tilespmem:v8+s4+$0x0], $0xffff  }
0x35: {  	s31 =	simm.s32 $0x80;
	v1 =	vld.idx.msk [tilespmem:v9+s4+$0x0], $0xffff;
	[tilespmem:s30+$0x1C770] =	vst v0  }
0x36: {  	s1 =	simm.s32 $0x400;
	v0 =	vld [tilespmem:s31+$0x18700];
	[tilespmem:s30+$0x1C700] =	vst v10  }
.LBB2_12:
0x37: {  	p1 =	sne.s32 s1, $0x3E00;
	v7 =	vld [tilespmem:s31+$0x18770];
	[tilespmem:s30+$0x1C710] =	vst v6  }
0x38: {  	v6 =	vld [tilespmem:s31+$0x18710];
	[tilespmem:s30+$0x1C720] =	vst v5  }
0x39: {  	v5 =	vld [tilespmem:s31+$0x18720];
	[tilespmem:s30+$0x1C730] =	vst v4  }
0x3a: {  	v4 =	vld [tilespmem:s31+$0x18730];
	[tilespmem:s30+$0x1C740] =	vst v3  }
0x3b: {  	v3 =	vld [tilespmem:s31+$0x18740];
	[tilespmem:s30+$0x1C750] =	vst v2  }
0x3c: {  	v2 =	vld [tilespmem:s31+$0x18750];
	[tilespmem:s30+$0x1C760] =	vst v1;
	s30 =	smov.u32 s31  }
0x3d: {  	v1 =	vld [tilespmem:s30+$0x18760]  }
0x3e: {  	v8 =	vld.idx.msk [tilespmem:v0+s4+$0x0], $0xffff  }
0x3f: {  	v0 =	vld.idx.msk [tilespmem:v7+s4+$0x0], $0xffff  }
0x40: {  	v6 =	vld.idx.msk [tilespmem:v6+s4+$0x0], $0xffff  }
0x41: {  	v5 =	vld.idx.msk [tilespmem:v5+s4+$0x0], $0xffff  }
.Ltmp1:
0x42: {  	v4 =	vld.idx.msk [tilespmem:v4+s4+$0x0], $0xffff;
	(pc) =	sbr.rel @p1 .LBB2_12-.Ltmp1, $4  }
0x43: {  	v3 =	vld.idx.msk [tilespmem:v3+s4+$0x0], $0xffff  }
0x44: {  	v2 =	vld.idx.msk [tilespmem:v2+s4+$0x0], $0xffff  }
0x45: {  	s31 =	sshra.s32 s1, $0x2;
	v1 =	vld.idx.msk [tilespmem:v1+s4+$0x0], $0xffff;
	[tilespmem:s30+$0x1C770] =	vst v0  }
0x46: {  	s1 =	sadd.s32 $0x200, s1;
	v0 =	vld [tilespmem:s31+$0x18700];
	[tilespmem:s30+$0x1C700] =	vst v8  }
0x47: {  	_ = 	snop  }
0x48: {  	v7 =	vld [tilespmem:s31+$0x18770];
	[tilespmem:s30+$0x1C710] =	vst v6  }
0x49: {  	v6 =	vld [tilespmem:s31+$0x18710];
	[tilespmem:s30+$0x1C720] =	vst v5  }
0x4a: {  	v5 =	vld [tilespmem:s31+$0x18720];
	[tilespmem:s30+$0x1C730] =	vst v4  }
0x4b: {  	v4 =	vld [tilespmem:s31+$0x18730];
	[tilespmem:s30+$0x1C740] =	vst v3  }
0x4c: {  	v3 =	vld [tilespmem:s31+$0x18740];
	[tilespmem:s30+$0x1C750] =	vst v2  }
0x4d: {  	v2 =	vld [tilespmem:s31+$0x18750];
	[tilespmem:s30+$0x1C760] =	vst v1  }
0x4e: {  	v1 =	vld [tilespmem:s31+$0x18760]  }
0x4f: {  	v0 =	vld.idx.msk [tilespmem:v0+s4+$0x0], $0xffff  }
0x50: {  	v7 =	vld.idx.msk [tilespmem:v7+s4+$0x0], $0xffff  }
0x51: {  	v6 =	vld.idx.msk [tilespmem:v6+s4+$0x0], $0xffff  }
0x52: {  	v5 =	vld.idx.msk [tilespmem:v5+s4+$0x0], $0xffff  }
0x53: {  	v4 =	vld.idx.msk [tilespmem:v4+s4+$0x0], $0xffff  }
0x54: {  	v3 =	vld.idx.msk [tilespmem:v3+s4+$0x0], $0xffff  }
0x55: {  	v2 =	vld.idx.msk [tilespmem:v2+s4+$0x0], $0xffff  }
0x56: {  	v1 =	vld.idx.msk [tilespmem:v1+s4+$0x0], $0xffff;
	[tilespmem:s31+$0x1C770] =	vst v7  }
0x57: {  	[tilespmem:s31+$0x1C700] =	vst v0  }
0x58: {  	[tilespmem:s31+$0x1C710] =	vst v6  }
0x59: {  	[tilespmem:s31+$0x1C720] =	vst v5  }
0x5a: {  	[tilespmem:s31+$0x1C730] =	vst v4  }
0x5b: {  	[tilespmem:s31+$0x1C740] =	vst v3  }
0x5c: {  	[tilespmem:s31+$0x1C750] =	vst v2  }
0x5d: {  	s30 =	simm.s32 $0x0;
	[tilespmem:s31+$0x1C760] =	vst v1  }
0x5e: {  	[hbm4b:s11+s21] =	stream.strided.scatter [tilespmem:s25], [sflag:$0x3], $0x1000, s22, s21, $0x38;
	[tilespmem:$0x1E700] =	vst v63  }
0x5f: {  	v0 =	vld [tilespmem:s30+$0x19700]  }
0x60: {  	v1 =	vld [tilespmem:s30+$0x19770]  }
0x61: {  	v2 =	vld [tilespmem:s30+$0x19710]  }
0x62: {  	v3 =	vld [tilespmem:s30+$0x19720]  }
0x63: {  	v4 =	vld [tilespmem:s30+$0x19730]  }
0x64: {  	v7 =	vld [tilespmem:s30+$0x19740]  }
0x65: {  	v8 =	vld [tilespmem:s30+$0x19750]  }
0x66: {  	v9 =	vld [tilespmem:s30+$0x19760]  }
0x67: {  	v10 =	vld.idx.msk [tilespmem:v0+s4+$0x0], $0xffff  }
0x68: {  	v0 =	vld.idx.msk [tilespmem:v1+s4+$0x0], $0xffff  }
0x69: {  	v6 =	vld.idx.msk [tilespmem:v2+s4+$0x0], $0xffff  }
0x6a: {  	v5 =	vld.idx.msk [tilespmem:v3+s4+$0x0], $0xffff  }
0x6b: {  	v4 =	vld.idx.msk [tilespmem:v4+s4+$0x0], $0xffff  }
0x6c: {  	v3 =	vld.idx.msk [tilespmem:v7+s4+$0x0], $0xffff  }
0x6d: {  	v2 =	vld.idx.msk [tilespmem:v8+s4+$0x0], $0xffff  }
0x6e: {  	s31 =	simm.s32 $0x80;
	v1 =	vld.idx.msk [tilespmem:v9+s4+$0x0], $0xffff;
	[tilespmem:s30+$0x1D770] =	vst v0  }
0x6f: {  	s1 =	simm.s32 $0x400;
	v0 =	vld [tilespmem:s31+$0x19700];
	[tilespmem:s30+$0x1D700] =	vst v10  }
.LBB2_14:
0x70: {  	p1 =	sne.s32 s1, $0x3E00;
	v7 =	vld [tilespmem:s31+$0x19770];
	[tilespmem:s30+$0x1D710] =	vst v6  }
0x71: {  	v6 =	vld [tilespmem:s31+$0x19710];
	[tilespmem:s30+$0x1D720] =	vst v5  }
0x72: {  	v5 =	vld [tilespmem:s31+$0x19720];
	[tilespmem:s30+$0x1D730] =	vst v4  }
0x73: {  	v4 =	vld [tilespmem:s31+$0x19730];
	[tilespmem:s30+$0x1D740] =	vst v3  }
0x74: {  	v3 =	vld [tilespmem:s31+$0x19740];
	[tilespmem:s30+$0x1D750] =	vst v2  }
0x75: {  	v2 =	vld [tilespmem:s31+$0x19750];
	[tilespmem:s30+$0x1D760] =	vst v1;
	s30 =	smov.u32 s31  }
0x76: {  	v1 =	vld [tilespmem:s30+$0x19760]  }
0x77: {  	v8 =	vld.idx.msk [tilespmem:v0+s4+$0x0], $0xffff  }
0x78: {  	v0 =	vld.idx.msk [tilespmem:v7+s4+$0x0], $0xffff  }
0x79: {  	v6 =	vld.idx.msk [tilespmem:v6+s4+$0x0], $0xffff  }
0x7a: {  	v5 =	vld.idx.msk [tilespmem:v5+s4+$0x0], $0xffff  }
.Ltmp2:
0x7b: {  	v4 =	vld.idx.msk [tilespmem:v4+s4+$0x0], $0xffff;
	(pc) =	sbr.rel @p1 .LBB2_14-.Ltmp2, $4  }
0x7c: {  	v3 =	vld.idx.msk [tilespmem:v3+s4+$0x0], $0xffff  }
0x7d: {  	v2 =	vld.idx.msk [tilespmem:v2+s4+$0x0], $0xffff  }
0x7e: {  	s31 =	sshra.s32 s1, $0x2;
	v1 =	vld.idx.msk [tilespmem:v1+s4+$0x0], $0xffff;
	[tilespmem:s30+$0x1D770] =	vst v0  }
0x7f: {  	s1 =	sadd.s32 $0x200, s1;
	v0 =	vld [tilespmem:s31+$0x19700];
	[tilespmem:s30+$0x1D700] =	vst v8  }
0x80: {  	_ = 	snop  }
0x81: {  	v7 =	vld [tilespmem:s31+$0x19770];
	[tilespmem:s30+$0x1D710] =	vst v6  }
0x82: {  	v6 =	vld [tilespmem:s31+$0x19710];
	[tilespmem:s30+$0x1D720] =	vst v5  }
0x83: {  	v5 =	vld [tilespmem:s31+$0x19720];
	[tilespmem:s30+$0x1D730] =	vst v4  }
0x84: {  	v4 =	vld [tilespmem:s31+$0x19730];
	[tilespmem:s30+$0x1D740] =	vst v3  }
0x85: {  	v3 =	vld [tilespmem:s31+$0x19740];
	[tilespmem:s30+$0x1D750] =	vst v2  }
0x86: {  	v2 =	vld [tilespmem:s31+$0x19750];
	[tilespmem:s30+$0x1D760] =	vst v1  }
0x87: {  	v1 =	vld [tilespmem:s31+$0x19760]  }
0x88: {  	v0 =	vld.idx.msk [tilespmem:v0+s4+$0x0], $0xffff  }
0x89: {  	v7 =	vld.idx.msk [tilespmem:v7+s4+$0x0], $0xffff  }
0x8a: {  	v6 =	vld.idx.msk [tilespmem:v6+s4+$0x0], $0xffff  }
0x8b: {  	v5 =	vld.idx.msk [tilespmem:v5+s4+$0x0], $0xffff  }
0x8c: {  	v4 =	vld.idx.msk [tilespmem:v4+s4+$0x0], $0xffff  }
0x8d: {  	v3 =	vld.idx.msk [tilespmem:v3+s4+$0x0], $0xffff  }
0x8e: {  	v2 =	vld.idx.msk [tilespmem:v2+s4+$0x0], $0xffff  }
0x8f: {  	v1 =	vld.idx.msk [tilespmem:v1+s4+$0x0], $0xffff;
	[tilespmem:s31+$0x1D770] =	vst v7  }
0x90: {  	[tilespmem:s31+$0x1D700] =	vst v0  }
0x91: {  	[tilespmem:s31+$0x1D710] =	vst v6  }
0x92: {  	[tilespmem:s31+$0x1D720] =	vst v5  }
0x93: {  	[tilespmem:s31+$0x1D730] =	vst v4  }
0x94: {  	[tilespmem:s31+$0x1D740] =	vst v3  }
0x95: {  	[tilespmem:s31+$0x1D750] =	vst v2  }
0x96: {  	[tilespmem:s31+$0x1D760] =	vst v1  }
0x97: {  	[hbm4b:s12+s21] =	stream.strided.scatter [tilespmem:s26], [sflag:$0x3], $0x1000, s22, s21, $0x38;
	[tilespmem:$0x1E700] =	vst v63  }
0x98: {  	_ =	swait.ge [sflag:s28], $0x1000  }
0x99: {  	[sflag:s28] =	ssyncset.done $0x0  }
0x9a: {  	s30 =	simm.s32 $0x0;
	[sflag:s28] =	ssyncadd.s32 $0xFFFFF000  }
0x9b: {  	v0 =	vld [tilespmem:s30+$0x1A700]  }
0x9c: {  	v1 =	vld [tilespmem:s30+$0x1A770]  }
0x9d: {  	v2 =	vld [tilespmem:s30+$0x1A710]  }
0x9e: {  	v3 =	vld [tilespmem:s30+$0x1A720]  }
0x9f: {  	v4 =	vld [tilespmem:s30+$0x1A730]  }
0xa0: {  	v7 =	vld [tilespmem:s30+$0x1A740]  }
0xa1: {  	v8 =	vld [tilespmem:s30+$0x1A750]  }
0xa2: {  	v9 =	vld [tilespmem:s30+$0x1A760]  }
0xa3: {  	v10 =	vld.idx.msk [tilespmem:v0+s4+$0x0], $0xffff  }
0xa4: {  	v0 =	vld.idx.msk [tilespmem:v1+s4+$0x0], $0xffff  }
0xa5: {  	v6 =	vld.idx.msk [tilespmem:v2+s4+$0x0], $0xffff  }
0xa6: {  	v5 =	vld.idx.msk [tilespmem:v3+s4+$0x0], $0xffff  }
0xa7: {  	v4 =	vld.idx.msk [tilespmem:v4+s4+$0x0], $0xffff  }
0xa8: {  	v3 =	vld.idx.msk [tilespmem:v7+s4+$0x0], $0xffff  }
0xa9: {  	v2 =	vld.idx.msk [tilespmem:v8+s4+$0x0], $0xffff  }
0xaa: {  	s31 =	simm.s32 $0x80;
	v1 =	vld.idx.msk [tilespmem:v9+s4+$0x0], $0xffff;
	[tilespmem:s30+$0x1C770] =	vst v0  }
0xab: {  	s1 =	simm.s32 $0x400;
	v0 =	vld [tilespmem:s31+$0x1A700];
	[tilespmem:s30+$0x1C700] =	vst v10  }
.LBB2_16:
0xac: {  	p1 =	sne.s32 s1, $0x3E00;
	v7 =	vld [tilespmem:s31+$0x1A770];
	[tilespmem:s30+$0x1C710] =	vst v6  }
0xad: {  	v6 =	vld [tilespmem:s31+$0x1A710];
	[tilespmem:s30+$0x1C720] =	vst v5  }
0xae: {  	v5 =	vld [tilespmem:s31+$0x1A720];
	[tilespmem:s30+$0x1C730] =	vst v4  }
0xaf: {  	v4 =	vld [tilespmem:s31+$0x1A730];
	[tilespmem:s30+$0x1C740] =	vst v3  }
0xb0: {  	v3 =	vld [tilespmem:s31+$0x1A740];
	[tilespmem:s30+$0x1C750] =	vst v2  }
0xb1: {  	v2 =	vld [tilespmem:s31+$0x1A750];
	[tilespmem:s30+$0x1C760] =	vst v1;
	s30 =	smov.u32 s31  }
0xb2: {  	v1 =	vld [tilespmem:s30+$0x1A760]  }
0xb3: {  	v8 =	vld.idx.msk [tilespmem:v0+s4+$0x0], $0xffff  }
0xb4: {  	v0 =	vld.idx.msk [tilespmem:v7+s4+$0x0], $0xffff  }
0xb5: {  	v6 =	vld.idx.msk [tilespmem:v6+s4+$0x0], $0xffff  }
0xb6: {  	v5 =	vld.idx.msk [tilespmem:v5+s4+$0x0], $0xffff  }
.Ltmp3:
0xb7: {  	v4 =	vld.idx.msk [tilespmem:v4+s4+$0x0], $0xffff;
	(pc) =	sbr.rel @p1 .LBB2_16-.Ltmp3, $4  }
0xb8: {  	v3 =	vld.idx.msk [tilespmem:v3+s4+$0x0], $0xffff  }
0xb9: {  	v2 =	vld.idx.msk [tilespmem:v2+s4+$0x0], $0xffff  }
0xba: {  	s31 =	sshra.s32 s1, $0x2;
	v1 =	vld.idx.msk [tilespmem:v1+s4+$0x0], $0xffff;
	[tilespmem:s30+$0x1C770] =	vst v0  }
0xbb: {  	s1 =	sadd.s32 $0x200, s1;
	v0 =	vld [tilespmem:s31+$0x1A700];
	[tilespmem:s30+$0x1C700] =	vst v8  }
0xbc: {  	_ = 	snop  }
0xbd: {  	v7 =	vld [tilespmem:s31+$0x1A770];
	[tilespmem:s30+$0x1C710] =	vst v6  }
0xbe: {  	v6 =	vld [tilespmem:s31+$0x1A710];
	[tilespmem:s30+$0x1C720] =	vst v5  }
0xbf: {  	v5 =	vld [tilespmem:s31+$0x1A720];
	[tilespmem:s30+$0x1C730] =	vst v4  }
0xc0: {  	v4 =	vld [tilespmem:s31+$0x1A730];
	[tilespmem:s30+$0x1C740] =	vst v3  }
0xc1: {  	v3 =	vld [tilespmem:s31+$0x1A740];
	[tilespmem:s30+$0x1C750] =	vst v2  }
0xc2: {  	v2 =	vld [tilespmem:s31+$0x1A750];
	[tilespmem:s30+$0x1C760] =	vst v1  }
0xc3: {  	v1 =	vld [tilespmem:s31+$0x1A760]  }
0xc4: {  	v0 =	vld.idx.msk [tilespmem:v0+s4+$0x0], $0xffff  }
0xc5: {  	v7 =	vld.idx.msk [tilespmem:v7+s4+$0x0], $0xffff  }
0xc6: {  	v6 =	vld.idx.msk [tilespmem:v6+s4+$0x0], $0xffff  }
0xc7: {  	v5 =	vld.idx.msk [tilespmem:v5+s4+$0x0], $0xffff  }
0xc8: {  	v4 =	vld.idx.msk [tilespmem:v4+s4+$0x0], $0xffff  }
0xc9: {  	v3 =	vld.idx.msk [tilespmem:v3+s4+$0x0], $0xffff  }
0xca: {  	v2 =	vld.idx.msk [tilespmem:v2+s4+$0x0], $0xffff  }
0xcb: {  	v1 =	vld.idx.msk [tilespmem:v1+s4+$0x0], $0xffff;
	[tilespmem:s31+$0x1C770] =	vst v7  }
0xcc: {  	[tilespmem:s31+$0x1C700] =	vst v0  }
0xcd: {  	[tilespmem:s31+$0x1C710] =	vst v6  }
0xce: {  	[tilespmem:s31+$0x1C720] =	vst v5  }
0xcf: {  	[tilespmem:s31+$0x1C730] =	vst v4  }
0xd0: {  	[tilespmem:s31+$0x1C740] =	vst v3  }
0xd1: {  	[tilespmem:s31+$0x1C750] =	vst v2  }
0xd2: {  	[tilespmem:s31+$0x1C760] =	vst v1  }
0xd3: {  	[hbm4b:s13+s21] =	stream.strided.scatter [tilespmem:s25], [sflag:$0x3], $0x1000, s22, s21, $0x38;
	[tilespmem:$0x1E700] =	vst v63  }
0xd4: {  	_ =	swait.ge [sflag:s28], $0x1000  }
0xd5: {  	[sflag:s28] =	ssyncset.done $0x0  }
0xd6: {  	s30 =	simm.s32 $0x0;
	[sflag:s28] =	ssyncadd.s32 $0xFFFFF000  }
0xd7: {  	v0 =	vld [tilespmem:s30+$0x1B700]  }
0xd8: {  	v1 =	vld [tilespmem:s30+$0x1B770]  }
0xd9: {  	v2 =	vld [tilespmem:s30+$0x1B710]  }
0xda: {  	v3 =	vld [tilespmem:s30+$0x1B720]  }
0xdb: {  	v4 =	vld [tilespmem:s30+$0x1B730]  }
0xdc: {  	v7 =	vld [tilespmem:s30+$0x1B740]  }
0xdd: {  	v8 =	vld [tilespmem:s30+$0x1B750]  }
0xde: {  	v9 =	vld [tilespmem:s30+$0x1B760]  }
0xdf: {  	v10 =	vld.idx.msk [tilespmem:v0+s4+$0x0], $0xffff  }
0xe0: {  	v0 =	vld.idx.msk [tilespmem:v1+s4+$0x0], $0xffff  }
0xe1: {  	v6 =	vld.idx.msk [tilespmem:v2+s4+$0x0], $0xffff  }
0xe2: {  	v5 =	vld.idx.msk [tilespmem:v3+s4+$0x0], $0xffff  }
0xe3: {  	v4 =	vld.idx.msk [tilespmem:v4+s4+$0x0], $0xffff  }
0xe4: {  	v3 =	vld.idx.msk [tilespmem:v7+s4+$0x0], $0xffff  }
0xe5: {  	v2 =	vld.idx.msk [tilespmem:v8+s4+$0x0], $0xffff  }
0xe6: {  	s31 =	simm.s32 $0x80;
	v1 =	vld.idx.msk [tilespmem:v9+s4+$0x0], $0xffff;
	[tilespmem:s30+$0x1D770] =	vst v0  }
0xe7: {  	s1 =	simm.s32 $0x400;
	v0 =	vld [tilespmem:s31+$0x1B700];
	[tilespmem:s30+$0x1D700] =	vst v10  }
.LBB2_18:
0xe8: {  	p1 =	sne.s32 s1, $0x3E00;
	v7 =	vld [tilespmem:s31+$0x1B770];
	[tilespmem:s30+$0x1D710] =	vst v6  }
0xe9: {  	v6 =	vld [tilespmem:s31+$0x1B710];
	[tilespmem:s30+$0x1D720] =	vst v5  }
0xea: {  	v5 =	vld [tilespmem:s31+$0x1B720];
	[tilespmem:s30+$0x1D730] =	vst v4  }
0xeb: {  	v4 =	vld [tilespmem:s31+$0x1B730];
	[tilespmem:s30+$0x1D740] =	vst v3  }
0xec: {  	v3 =	vld [tilespmem:s31+$0x1B740];
	[tilespmem:s30+$0x1D750] =	vst v2  }
0xed: {  	v2 =	vld [tilespmem:s31+$0x1B750];
	[tilespmem:s30+$0x1D760] =	vst v1;
	s30 =	smov.u32 s31  }
0xee: {  	v1 =	vld [tilespmem:s30+$0x1B760]  }
0xef: {  	v8 =	vld.idx.msk [tilespmem:v0+s4+$0x0], $0xffff  }
0xf0: {  	v0 =	vld.idx.msk [tilespmem:v7+s4+$0x0], $0xffff  }
0xf1: {  	v6 =	vld.idx.msk [tilespmem:v6+s4+$0x0], $0xffff  }
0xf2: {  	v5 =	vld.idx.msk [tilespmem:v5+s4+$0x0], $0xffff  }
.Ltmp4:
0xf3: {  	v4 =	vld.idx.msk [tilespmem:v4+s4+$0x0], $0xffff;
	(pc) =	sbr.rel @p1 .LBB2_18-.Ltmp4, $4  }
0xf4: {  	v3 =	vld.idx.msk [tilespmem:v3+s4+$0x0], $0xffff  }
0xf5: {  	v2 =	vld.idx.msk [tilespmem:v2+s4+$0x0], $0xffff  }
0xf6: {  	s31 =	sshra.s32 s1, $0x2;
	v1 =	vld.idx.msk [tilespmem:v1+s4+$0x0], $0xffff;
	[tilespmem:s30+$0x1D770] =	vst v0  }
0xf7: {  	s1 =	sadd.s32 $0x200, s1;
	v0 =	vld [tilespmem:s31+$0x1B700];
	[tilespmem:s30+$0x1D700] =	vst v8  }
0xf8: {  	_ = 	snop  }
0xf9: {  	v7 =	vld [tilespmem:s31+$0x1B770];
	[tilespmem:s30+$0x1D710] =	vst v6  }
0xfa: {  	v6 =	vld [tilespmem:s31+$0x1B710];
	[tilespmem:s30+$0x1D720] =	vst v5  }
0xfb: {  	v5 =	vld [tilespmem:s31+$0x1B720];
	[tilespmem:s30+$0x1D730] =	vst v4  }
0xfc: {  	v4 =	vld [tilespmem:s31+$0x1B730];
	[tilespmem:s30+$0x1D740] =	vst v3  }
0xfd: {  	v3 =	vld [tilespmem:s31+$0x1B740];
	[tilespmem:s30+$0x1D750] =	vst v2  }
0xfe: {  	v2 =	vld [tilespmem:s31+$0x1B750];
	[tilespmem:s30+$0x1D760] =	vst v1  }
0xff: {  	v1 =	vld [tilespmem:s31+$0x1B760]  }
0x100: {  	v0 =	vld.idx.msk [tilespmem:v0+s4+$0x0], $0xffff  }
0x101: {  	v7 =	vld.idx.msk [tilespmem:v7+s4+$0x0], $0xffff  }
0x102: {  	v6 =	vld.idx.msk [tilespmem:v6+s4+$0x0], $0xffff  }
0x103: {  	v5 =	vld.idx.msk [tilespmem:v5+s4+$0x0], $0xffff  }
0x104: {  	v4 =	vld.idx.msk [tilespmem:v4+s4+$0x0], $0xffff  }
0x105: {  	v3 =	vld.idx.msk [tilespmem:v3+s4+$0x0], $0xffff  }
0x106: {  	v2 =	vld.idx.msk [tilespmem:v2+s4+$0x0], $0xffff  }
0x107: {  	v1 =	vld.idx.msk [tilespmem:v1+s4+$0x0], $0xffff;
	[tilespmem:s31+$0x1D770] =	vst v7  }
0x108: {  	[tilespmem:s31+$0x1D700] =	vst v0  }
0x109: {  	[tilespmem:s31+$0x1D710] =	vst v6  }
.Ltmp5:
0x10a: {  	[tilespmem:s31+$0x1D720] =	vst v5;
	(pc) =	sbr.rel .LBB2_20-.Ltmp5, $4  }
0x10b: {  	[tilespmem:s31+$0x1D730] =	vst v4  }
0x10c: {  	[tilespmem:s31+$0x1D740] =	vst v3  }
0x10d: {  	[tilespmem:s31+$0x1D750] =	vst v2  }
0x10e: {  	s1 =	smov.u32 s14;
	[tilespmem:s31+$0x1D760] =	vst v1  }
.LBB2_2:
0x10f: {  	[tilespmem:s20], [sflag:$0x2] =	stream.linear.gather [hbm4b:s0+s1], $0x4000, $0x38;
	[tilespmem:$0x1E700] =	vst v63  }
0x110: {  	_ = 	snop  }
0x111: {  	[tilespmem:s1], [sflag:$0x1] =	stream.strided.gather [hbm4b:s5+s21], $0x18700, s22, s21, $0x38;
	[tilespmem:$0x1E700] =	vst v63  }
0x112: {  	_ =	swait.ge [sflag:s23], $0x4000  }
0x113: {  	[sflag:s23] =	ssyncset.done $0x0  }
0x114: {  	[sflag:s23] =	ssyncadd.s32 $0xFFFFC000  }
0x115: {  	_ =	swait.ge [sflag:s24], $0x18700  }
0x116: {  	[sflag:s24] =	ssyncset.done $0x0  }
0x117: {  	s30 =	simm.s32 $0x0;
	[sflag:s24] =	ssyncadd.s32 $0xFFFE7900  }
0x118: {  	v0 =	vld [tilespmem:s30+$0x18700]  }
0x119: {  	v1 =	vld [tilespmem:s30+$0x18770]  }
0x11a: {  	v2 =	vld [tilespmem:s30+$0x18710]  }
0x11b: {  	v3 =	vld [tilespmem:s30+$0x18720]  }
0x11c: {  	v4 =	vld [tilespmem:s30+$0x18730]  }
0x11d: {  	v7 =	vld [tilespmem:s30+$0x18740]  }
0x11e: {  	v8 =	vld [tilespmem:s30+$0x18750]  }
0x11f: {  	v9 =	vld [tilespmem:s30+$0x18760]  }
0x120: {  	v10 =	vld.idx.msk [tilespmem:v0+s4+$0x0], $0xffff  }
0x121: {  	v0 =	vld.idx.msk [tilespmem:v1+s4+$0x0], $0xffff  }
0x122: {  	v6 =	vld.idx.msk [tilespmem:v2+s4+$0x0], $0xffff  }
0x123: {  	v5 =	vld.idx.msk [tilespmem:v3+s4+$0x0], $0xffff  }
0x124: {  	v4 =	vld.idx.msk [tilespmem:v4+s4+$0x0], $0xffff  }
0x125: {  	v3 =	vld.idx.msk [tilespmem:v7+s4+$0x0], $0xffff  }
0x126: {  	v2 =	vld.idx.msk [tilespmem:v8+s4+$0x0], $0xffff  }
0x127: {  	s31 =	simm.s32 $0x80;
	v1 =	vld.idx.msk [tilespmem:v9+s4+$0x0], $0xffff;
	[tilespmem:s30+$0x1C770] =	vst v0  }
0x128: {  	s1 =	simm.s32 $0x400;
	v0 =	vld [tilespmem:s31+$0x18700];
	[tilespmem:s30+$0x1C700] =	vst v10  }
.LBB2_3:
0x129: {  	p1 =	sne.s32 s1, $0x3E00;
	v7 =	vld [tilespmem:s31+$0x18770];
	[tilespmem:s30+$0x1C710] =	vst v6  }
0x12a: {  	v6 =	vld [tilespmem:s31+$0x18710];
	[tilespmem:s30+$0x1C720] =	vst v5  }
0x12b: {  	v5 =	vld [tilespmem:s31+$0x18720];
	[tilespmem:s30+$0x1C730] =	vst v4  }
0x12c: {  	v4 =	vld [tilespmem:s31+$0x18730];
	[tilespmem:s30+$0x1C740] =	vst v3  }
0x12d: {  	v3 =	vld [tilespmem:s31+$0x18740];
	[tilespmem:s30+$0x1C750] =	vst v2  }
0x12e: {  	v2 =	vld [tilespmem:s31+$0x18750];
	[tilespmem:s30+$0x1C760] =	vst v1;
	s30 =	smov.u32 s31  }
0x12f: {  	v1 =	vld [tilespmem:s30+$0x18760]  }
0x130: {  	v8 =	vld.idx.msk [tilespmem:v0+s4+$0x0], $0xffff  }
0x131: {  	v0 =	vld.idx.msk [tilespmem:v7+s4+$0x0], $0xffff  }
0x132: {  	v6 =	vld.idx.msk [tilespmem:v6+s4+$0x0], $0xffff  }
0x133: {  	v5 =	vld.idx.msk [tilespmem:v5+s4+$0x0], $0xffff  }
.Ltmp6:
0x134: {  	v4 =	vld.idx.msk [tilespmem:v4+s4+$0x0], $0xffff;
	(pc) =	sbr.rel @p1 .LBB2_3-.Ltmp6, $4  }
0x135: {  	v3 =	vld.idx.msk [tilespmem:v3+s4+$0x0], $0xffff  }
0x136: {  	v2 =	vld.idx.msk [tilespmem:v2+s4+$0x0], $0xffff  }
0x137: {  	s31 =	sshra.s32 s1, $0x2;
	v1 =	vld.idx.msk [tilespmem:v1+s4+$0x0], $0xffff;
	[tilespmem:s30+$0x1C770] =	vst v0  }
0x138: {  	s1 =	sadd.s32 $0x200, s1;
	v0 =	vld [tilespmem:s31+$0x18700];
	[tilespmem:s30+$0x1C700] =	vst v8  }
0x139: {  	_ = 	snop  }
0x13a: {  	v7 =	vld [tilespmem:s31+$0x18770];
	[tilespmem:s30+$0x1C710] =	vst v6  }
0x13b: {  	v6 =	vld [tilespmem:s31+$0x18710];
	[tilespmem:s30+$0x1C720] =	vst v5  }
0x13c: {  	v5 =	vld [tilespmem:s31+$0x18720];
	[tilespmem:s30+$0x1C730] =	vst v4  }
0x13d: {  	v4 =	vld [tilespmem:s31+$0x18730];
	[tilespmem:s30+$0x1C740] =	vst v3  }
0x13e: {  	v3 =	vld [tilespmem:s31+$0x18740];
	[tilespmem:s30+$0x1C750] =	vst v2  }
0x13f: {  	v2 =	vld [tilespmem:s31+$0x18750];
	[tilespmem:s30+$0x1C760] =	vst v1  }
0x140: {  	v1 =	vld [tilespmem:s31+$0x18760]  }
0x141: {  	v0 =	vld.idx.msk [tilespmem:v0+s4+$0x0], $0xffff  }
0x142: {  	v7 =	vld.idx.msk [tilespmem:v7+s4+$0x0], $0xffff  }
0x143: {  	v6 =	vld.idx.msk [tilespmem:v6+s4+$0x0], $0xffff  }
0x144: {  	v5 =	vld.idx.msk [tilespmem:v5+s4+$0x0], $0xffff  }
0x145: {  	v4 =	vld.idx.msk [tilespmem:v4+s4+$0x0], $0xffff  }
0x146: {  	v3 =	vld.idx.msk [tilespmem:v3+s4+$0x0], $0xffff  }
0x147: {  	v2 =	vld.idx.msk [tilespmem:v2+s4+$0x0], $0xffff  }
0x148: {  	v1 =	vld.idx.msk [tilespmem:v1+s4+$0x0], $0xffff;
	[tilespmem:s31+$0x1C770] =	vst v7  }
0x149: {  	[tilespmem:s31+$0x1C700] =	vst v0  }
0x14a: {  	[tilespmem:s31+$0x1C710] =	vst v6  }
0x14b: {  	[tilespmem:s31+$0x1C720] =	vst v5  }
0x14c: {  	[tilespmem:s31+$0x1C730] =	vst v4  }
0x14d: {  	[tilespmem:s31+$0x1C740] =	vst v3  }
0x14e: {  	[tilespmem:s31+$0x1C750] =	vst v2  }
0x14f: {  	s30 =	simm.s32 $0x0;
	[tilespmem:s31+$0x1C760] =	vst v1  }
0x150: {  	[hbm4b:s6+s21] =	stream.strided.scatter [tilespmem:s25], [sflag:$0x3], $0x1000, s22, s21, $0x38;
	[tilespmem:$0x1E700] =	vst v63  }
0x151: {  	v0 =	vld [tilespmem:s30+$0x19700]  }
0x152: {  	v1 =	vld [tilespmem:s30+$0x19770]  }
0x153: {  	v2 =	vld [tilespmem:s30+$0x19710]  }
0x154: {  	v3 =	vld [tilespmem:s30+$0x19720]  }
0x155: {  	v4 =	vld [tilespmem:s30+$0x19730]  }
0x156: {  	v7 =	vld [tilespmem:s30+$0x19740]  }
0x157: {  	v8 =	vld [tilespmem:s30+$0x19750]  }
0x158: {  	v9 =	vld [tilespmem:s30+$0x19760]  }
0x159: {  	v10 =	vld.idx.msk [tilespmem:v0+s4+$0x0], $0xffff  }
0x15a: {  	v0 =	vld.idx.msk [tilespmem:v1+s4+$0x0], $0xffff  }
0x15b: {  	v6 =	vld.idx.msk [tilespmem:v2+s4+$0x0], $0xffff  }
0x15c: {  	v5 =	vld.idx.msk [tilespmem:v3+s4+$0x0], $0xffff  }
0x15d: {  	v4 =	vld.idx.msk [tilespmem:v4+s4+$0x0], $0xffff  }
0x15e: {  	v3 =	vld.idx.msk [tilespmem:v7+s4+$0x0], $0xffff  }
0x15f: {  	v2 =	vld.idx.msk [tilespmem:v8+s4+$0x0], $0xffff  }
0x160: {  	s31 =	simm.s32 $0x80;
	v1 =	vld.idx.msk [tilespmem:v9+s4+$0x0], $0xffff;
	[tilespmem:s30+$0x1D770] =	vst v0  }
0x161: {  	s1 =	simm.s32 $0x400;
	v0 =	vld [tilespmem:s31+$0x19700];
	[tilespmem:s30+$0x1D700] =	vst v10  }
.LBB2_5:
0x162: {  	p1 =	sne.s32 s1, $0x3E00;
	v7 =	vld [tilespmem:s31+$0x19770];
	[tilespmem:s30+$0x1D710] =	vst v6  }
0x163: {  	v6 =	vld [tilespmem:s31+$0x19710];
	[tilespmem:s30+$0x1D720] =	vst v5  }
0x164: {  	v5 =	vld [tilespmem:s31+$0x19720];
	[tilespmem:s30+$0x1D730] =	vst v4  }
0x165: {  	v4 =	vld [tilespmem:s31+$0x19730];
	[tilespmem:s30+$0x1D740] =	vst v3  }
0x166: {  	v3 =	vld [tilespmem:s31+$0x19740];
	[tilespmem:s30+$0x1D750] =	vst v2  }
0x167: {  	v2 =	vld [tilespmem:s31+$0x19750];
	[tilespmem:s30+$0x1D760] =	vst v1;
	s30 =	smov.u32 s31  }
0x168: {  	v1 =	vld [tilespmem:s30+$0x19760]  }
0x169: {  	v8 =	vld.idx.msk [tilespmem:v0+s4+$0x0], $0xffff  }
0x16a: {  	v0 =	vld.idx.msk [tilespmem:v7+s4+$0x0], $0xffff  }
0x16b: {  	v6 =	vld.idx.msk [tilespmem:v6+s4+$0x0], $0xffff  }
0x16c: {  	v5 =	vld.idx.msk [tilespmem:v5+s4+$0x0], $0xffff  }
.Ltmp7:
0x16d: {  	v4 =	vld.idx.msk [tilespmem:v4+s4+$0x0], $0xffff;
	(pc) =	sbr.rel @p1 .LBB2_5-.Ltmp7, $4  }
0x16e: {  	v3 =	vld.idx.msk [tilespmem:v3+s4+$0x0], $0xffff  }
0x16f: {  	v2 =	vld.idx.msk [tilespmem:v2+s4+$0x0], $0xffff  }
0x170: {  	s31 =	sshra.s32 s1, $0x2;
	v1 =	vld.idx.msk [tilespmem:v1+s4+$0x0], $0xffff;
	[tilespmem:s30+$0x1D770] =	vst v0  }
0x171: {  	s1 =	sadd.s32 $0x200, s1;
	v0 =	vld [tilespmem:s31+$0x19700];
	[tilespmem:s30+$0x1D700] =	vst v8  }
0x172: {  	_ = 	snop  }
0x173: {  	v7 =	vld [tilespmem:s31+$0x19770];
	[tilespmem:s30+$0x1D710] =	vst v6  }
0x174: {  	v6 =	vld [tilespmem:s31+$0x19710];
	[tilespmem:s30+$0x1D720] =	vst v5  }
0x175: {  	v5 =	vld [tilespmem:s31+$0x19720];
	[tilespmem:s30+$0x1D730] =	vst v4  }
0x176: {  	v4 =	vld [tilespmem:s31+$0x19730];
	[tilespmem:s30+$0x1D740] =	vst v3  }
0x177: {  	v3 =	vld [tilespmem:s31+$0x19740];
	[tilespmem:s30+$0x1D750] =	vst v2  }
0x178: {  	v2 =	vld [tilespmem:s31+$0x19750];
	[tilespmem:s30+$0x1D760] =	vst v1  }
0x179: {  	v1 =	vld [tilespmem:s31+$0x19760]  }
0x17a: {  	v0 =	vld.idx.msk [tilespmem:v0+s4+$0x0], $0xffff  }
0x17b: {  	v7 =	vld.idx.msk [tilespmem:v7+s4+$0x0], $0xffff  }
0x17c: {  	v6 =	vld.idx.msk [tilespmem:v6+s4+$0x0], $0xffff  }
0x17d: {  	v5 =	vld.idx.msk [tilespmem:v5+s4+$0x0], $0xffff  }
0x17e: {  	v4 =	vld.idx.msk [tilespmem:v4+s4+$0x0], $0xffff  }
0x17f: {  	v3 =	vld.idx.msk [tilespmem:v3+s4+$0x0], $0xffff  }
0x180: {  	v2 =	vld.idx.msk [tilespmem:v2+s4+$0x0], $0xffff  }
0x181: {  	v1 =	vld.idx.msk [tilespmem:v1+s4+$0x0], $0xffff;
	[tilespmem:s31+$0x1D770] =	vst v7  }
0x182: {  	[tilespmem:s31+$0x1D700] =	vst v0  }
0x183: {  	[tilespmem:s31+$0x1D710] =	vst v6  }
0x184: {  	[tilespmem:s31+$0x1D720] =	vst v5  }
0x185: {  	[tilespmem:s31+$0x1D730] =	vst v4  }
0x186: {  	[tilespmem:s31+$0x1D740] =	vst v3  }
0x187: {  	[tilespmem:s31+$0x1D750] =	vst v2  }
0x188: {  	[tilespmem:s31+$0x1D760] =	vst v1  }
0x189: {  	[hbm4b:s7+s21] =	stream.strided.scatter [tilespmem:s26], [sflag:$0x3], $0x1000, s22, s21, $0x38;
	[tilespmem:$0x1E700] =	vst v63  }
0x18a: {  	_ =	swait.ge [sflag:s28], $0x1000  }
0x18b: {  	[sflag:s28] =	ssyncset.done $0x0  }
0x18c: {  	s30 =	simm.s32 $0x0;
	[sflag:s28] =	ssyncadd.s32 $0xFFFFF000  }
0x18d: {  	v0 =	vld [tilespmem:s30+$0x1A700]  }
0x18e: {  	v1 =	vld [tilespmem:s30+$0x1A770]  }
0x18f: {  	v2 =	vld [tilespmem:s30+$0x1A710]  }
0x190: {  	v3 =	vld [tilespmem:s30+$0x1A720]  }
0x191: {  	v4 =	vld [tilespmem:s30+$0x1A730]  }
0x192: {  	v7 =	vld [tilespmem:s30+$0x1A740]  }
0x193: {  	v8 =	vld [tilespmem:s30+$0x1A750]  }
0x194: {  	v9 =	vld [tilespmem:s30+$0x1A760]  }
0x195: {  	v10 =	vld.idx.msk [tilespmem:v0+s4+$0x0], $0xffff  }
0x196: {  	v0 =	vld.idx.msk [tilespmem:v1+s4+$0x0], $0xffff  }
0x197: {  	v6 =	vld.idx.msk [tilespmem:v2+s4+$0x0], $0xffff  }
0x198: {  	v5 =	vld.idx.msk [tilespmem:v3+s4+$0x0], $0xffff  }
0x199: {  	v4 =	vld.idx.msk [tilespmem:v4+s4+$0x0], $0xffff  }
0x19a: {  	v3 =	vld.idx.msk [tilespmem:v7+s4+$0x0], $0xffff  }
0x19b: {  	v2 =	vld.idx.msk [tilespmem:v8+s4+$0x0], $0xffff  }
0x19c: {  	s31 =	simm.s32 $0x80;
	v1 =	vld.idx.msk [tilespmem:v9+s4+$0x0], $0xffff;
	[tilespmem:s30+$0x1C770] =	vst v0  }
0x19d: {  	s1 =	simm.s32 $0x400;
	v0 =	vld [tilespmem:s31+$0x1A700];
	[tilespmem:s30+$0x1C700] =	vst v10  }
.LBB2_7:
0x19e: {  	p1 =	sne.s32 s1, $0x3E00;
	v7 =	vld [tilespmem:s31+$0x1A770];
	[tilespmem:s30+$0x1C710] =	vst v6  }
0x19f: {  	v6 =	vld [tilespmem:s31+$0x1A710];
	[tilespmem:s30+$0x1C720] =	vst v5  }
0x1a0: {  	v5 =	vld [tilespmem:s31+$0x1A720];
	[tilespmem:s30+$0x1C730] =	vst v4  }
0x1a1: {  	v4 =	vld [tilespmem:s31+$0x1A730];
	[tilespmem:s30+$0x1C740] =	vst v3  }
0x1a2: {  	v3 =	vld [tilespmem:s31+$0x1A740];
	[tilespmem:s30+$0x1C750] =	vst v2  }
0x1a3: {  	v2 =	vld [tilespmem:s31+$0x1A750];
	[tilespmem:s30+$0x1C760] =	vst v1;
	s30 =	smov.u32 s31  }
0x1a4: {  	v1 =	vld [tilespmem:s30+$0x1A760]  }
0x1a5: {  	v8 =	vld.idx.msk [tilespmem:v0+s4+$0x0], $0xffff  }
0x1a6: {  	v0 =	vld.idx.msk [tilespmem:v7+s4+$0x0], $0xffff  }
0x1a7: {  	v6 =	vld.idx.msk [tilespmem:v6+s4+$0x0], $0xffff  }
0x1a8: {  	v5 =	vld.idx.msk [tilespmem:v5+s4+$0x0], $0xffff  }
.Ltmp8:
0x1a9: {  	v4 =	vld.idx.msk [tilespmem:v4+s4+$0x0], $0xffff;
	(pc) =	sbr.rel @p1 .LBB2_7-.Ltmp8, $4  }
0x1aa: {  	v3 =	vld.idx.msk [tilespmem:v3+s4+$0x0], $0xffff  }
0x1ab: {  	v2 =	vld.idx.msk [tilespmem:v2+s4+$0x0], $0xffff  }
0x1ac: {  	s31 =	sshra.s32 s1, $0x2;
	v1 =	vld.idx.msk [tilespmem:v1+s4+$0x0], $0xffff;
	[tilespmem:s30+$0x1C770] =	vst v0  }
0x1ad: {  	s1 =	sadd.s32 $0x200, s1;
	v0 =	vld [tilespmem:s31+$0x1A700];
	[tilespmem:s30+$0x1C700] =	vst v8  }
0x1ae: {  	_ = 	snop  }
0x1af: {  	v7 =	vld [tilespmem:s31+$0x1A770];
	[tilespmem:s30+$0x1C710] =	vst v6  }
0x1b0: {  	v6 =	vld [tilespmem:s31+$0x1A710];
	[tilespmem:s30+$0x1C720] =	vst v5  }
0x1b1: {  	v5 =	vld [tilespmem:s31+$0x1A720];
	[tilespmem:s30+$0x1C730] =	vst v4  }
0x1b2: {  	v4 =	vld [tilespmem:s31+$0x1A730];
	[tilespmem:s30+$0x1C740] =	vst v3  }
0x1b3: {  	v3 =	vld [tilespmem:s31+$0x1A740];
	[tilespmem:s30+$0x1C750] =	vst v2  }
0x1b4: {  	v2 =	vld [tilespmem:s31+$0x1A750];
	[tilespmem:s30+$0x1C760] =	vst v1  }
0x1b5: {  	v1 =	vld [tilespmem:s31+$0x1A760]  }
0x1b6: {  	v0 =	vld.idx.msk [tilespmem:v0+s4+$0x0], $0xffff  }
0x1b7: {  	v7 =	vld.idx.msk [tilespmem:v7+s4+$0x0], $0xffff  }
0x1b8: {  	v6 =	vld.idx.msk [tilespmem:v6+s4+$0x0], $0xffff  }
0x1b9: {  	v5 =	vld.idx.msk [tilespmem:v5+s4+$0x0], $0xffff  }
0x1ba: {  	v4 =	vld.idx.msk [tilespmem:v4+s4+$0x0], $0xffff  }
0x1bb: {  	v3 =	vld.idx.msk [tilespmem:v3+s4+$0x0], $0xffff  }
0x1bc: {  	v2 =	vld.idx.msk [tilespmem:v2+s4+$0x0], $0xffff  }
0x1bd: {  	v1 =	vld.idx.msk [tilespmem:v1+s4+$0x0], $0xffff;
	[tilespmem:s31+$0x1C770] =	vst v7  }
0x1be: {  	[tilespmem:s31+$0x1C700] =	vst v0  }
0x1bf: {  	[tilespmem:s31+$0x1C710] =	vst v6  }
0x1c0: {  	[tilespmem:s31+$0x1C720] =	vst v5  }
0x1c1: {  	[tilespmem:s31+$0x1C730] =	vst v4  }
0x1c2: {  	[tilespmem:s31+$0x1C740] =	vst v3  }
0x1c3: {  	[tilespmem:s31+$0x1C750] =	vst v2  }
0x1c4: {  	[tilespmem:s31+$0x1C760] =	vst v1  }
0x1c5: {  	[hbm4b:s8+s21] =	stream.strided.scatter [tilespmem:s25], [sflag:$0x3], $0x1000, s22, s21, $0x38;
	[tilespmem:$0x1E700] =	vst v63  }
0x1c6: {  	_ =	swait.ge [sflag:s28], $0x1000  }
0x1c7: {  	[sflag:s28] =	ssyncset.done $0x0  }
0x1c8: {  	s30 =	simm.s32 $0x0;
	[sflag:s28] =	ssyncadd.s32 $0xFFFFF000  }
0x1c9: {  	v0 =	vld [tilespmem:s30+$0x1B700]  }
0x1ca: {  	v1 =	vld [tilespmem:s30+$0x1B770]  }
0x1cb: {  	v2 =	vld [tilespmem:s30+$0x1B710]  }
0x1cc: {  	v3 =	vld [tilespmem:s30+$0x1B720]  }
0x1cd: {  	v4 =	vld [tilespmem:s30+$0x1B730]  }
0x1ce: {  	v7 =	vld [tilespmem:s30+$0x1B740]  }
0x1cf: {  	v8 =	vld [tilespmem:s30+$0x1B750]  }
0x1d0: {  	v9 =	vld [tilespmem:s30+$0x1B760]  }
0x1d1: {  	v10 =	vld.idx.msk [tilespmem:v0+s4+$0x0], $0xffff  }
0x1d2: {  	v0 =	vld.idx.msk [tilespmem:v1+s4+$0x0], $0xffff  }
0x1d3: {  	v6 =	vld.idx.msk [tilespmem:v2+s4+$0x0], $0xffff  }
0x1d4: {  	v5 =	vld.idx.msk [tilespmem:v3+s4+$0x0], $0xffff  }
0x1d5: {  	v4 =	vld.idx.msk [tilespmem:v4+s4+$0x0], $0xffff  }
0x1d6: {  	v3 =	vld.idx.msk [tilespmem:v7+s4+$0x0], $0xffff  }
0x1d7: {  	v2 =	vld.idx.msk [tilespmem:v8+s4+$0x0], $0xffff  }
0x1d8: {  	s31 =	simm.s32 $0x80;
	v1 =	vld.idx.msk [tilespmem:v9+s4+$0x0], $0xffff;
	[tilespmem:s30+$0x1D770] =	vst v0  }
0x1d9: {  	s1 =	simm.s32 $0x400;
	v0 =	vld [tilespmem:s31+$0x1B700];
	[tilespmem:s30+$0x1D700] =	vst v10  }
.LBB2_9:
0x1da: {  	p1 =	seq.s32 s1, $0x3E00;
	v7 =	vld [tilespmem:s31+$0x1B770];
	[tilespmem:s30+$0x1D710] =	vst v6  }
0x1db: {  	v6 =	vld [tilespmem:s31+$0x1B710];
	[tilespmem:s30+$0x1D720] =	vst v5  }
0x1dc: {  	v5 =	vld [tilespmem:s31+$0x1B720];
	[tilespmem:s30+$0x1D730] =	vst v4  }
0x1dd: {  	v4 =	vld [tilespmem:s31+$0x1B730];
	[tilespmem:s30+$0x1D740] =	vst v3  }
0x1de: {  	v3 =	vld [tilespmem:s31+$0x1B740];
	[tilespmem:s30+$0x1D750] =	vst v2  }
0x1df: {  	v2 =	vld [tilespmem:s31+$0x1B750];
	[tilespmem:s30+$0x1D760] =	vst v1;
	s30 =	smov.u32 s31  }
0x1e0: {  	v1 =	vld [tilespmem:s30+$0x1B760]  }
0x1e1: {  	v8 =	vld.idx.msk [tilespmem:v0+s4+$0x0], $0xffff  }
0x1e2: {  	v0 =	vld.idx.msk [tilespmem:v7+s4+$0x0], $0xffff  }
0x1e3: {  	v6 =	vld.idx.msk [tilespmem:v6+s4+$0x0], $0xffff  }
0x1e4: {  	v5 =	vld.idx.msk [tilespmem:v5+s4+$0x0], $0xffff  }
.Ltmp9:
0x1e5: {  	v4 =	vld.idx.msk [tilespmem:v4+s4+$0x0], $0xffff;
	(pc) =	sbr.rel @!p1 .LBB2_9-.Ltmp9, $4  }
0x1e6: {  	v3 =	vld.idx.msk [tilespmem:v3+s4+$0x0], $0xffff  }
0x1e7: {  	v2 =	vld.idx.msk [tilespmem:v2+s4+$0x0], $0xffff  }
0x1e8: {  	s31 =	sshra.s32 s1, $0x2;
	v1 =	vld.idx.msk [tilespmem:v1+s4+$0x0], $0xffff;
	[tilespmem:s30+$0x1D770] =	vst v0  }
0x1e9: {  	s1 =	sadd.s32 $0x200, s1;
	v0 =	vld [tilespmem:s31+$0x1B700];
	[tilespmem:s30+$0x1D700] =	vst v8  }
0x1ea: {  	_ = 	snop  }
0x1eb: {  	v7 =	vld [tilespmem:s31+$0x1B770];
	[tilespmem:s30+$0x1D710] =	vst v6  }
0x1ec: {  	v6 =	vld [tilespmem:s31+$0x1B710];
	[tilespmem:s30+$0x1D720] =	vst v5  }
0x1ed: {  	v5 =	vld [tilespmem:s31+$0x1B720];
	[tilespmem:s30+$0x1D730] =	vst v4  }
0x1ee: {  	v4 =	vld [tilespmem:s31+$0x1B730];
	[tilespmem:s30+$0x1D740] =	vst v3  }
0x1ef: {  	v3 =	vld [tilespmem:s31+$0x1B740];
	[tilespmem:s30+$0x1D750] =	vst v2  }
0x1f0: {  	v2 =	vld [tilespmem:s31+$0x1B750];
	[tilespmem:s30+$0x1D760] =	vst v1  }
0x1f1: {  	v1 =	vld [tilespmem:s31+$0x1B760]  }
0x1f2: {  	v0 =	vld.idx.msk [tilespmem:v0+s4+$0x0], $0xffff  }
0x1f3: {  	v7 =	vld.idx.msk [tilespmem:v7+s4+$0x0], $0xffff  }
0x1f4: {  	v6 =	vld.idx.msk [tilespmem:v6+s4+$0x0], $0xffff  }
0x1f5: {  	v5 =	vld.idx.msk [tilespmem:v5+s4+$0x0], $0xffff  }
0x1f6: {  	v4 =	vld.idx.msk [tilespmem:v4+s4+$0x0], $0xffff  }
0x1f7: {  	v3 =	vld.idx.msk [tilespmem:v3+s4+$0x0], $0xffff  }
0x1f8: {  	v2 =	vld.idx.msk [tilespmem:v2+s4+$0x0], $0xffff  }
0x1f9: {  	v1 =	vld.idx.msk [tilespmem:v1+s4+$0x0], $0xffff;
	[tilespmem:s31+$0x1D770] =	vst v7  }
0x1fa: {  	[tilespmem:s31+$0x1D700] =	vst v0  }
0x1fb: {  	[tilespmem:s31+$0x1D710] =	vst v6  }
0x1fc: {  	[tilespmem:s31+$0x1D720] =	vst v5  }
0x1fd: {  	[tilespmem:s31+$0x1D730] =	vst v4  }
0x1fe: {  	[tilespmem:s31+$0x1D740] =	vst v3  }
0x1ff: {  	[tilespmem:s31+$0x1D750] =	vst v2  }
0x200: {  	s1 =	smov.u32 s9;
	[tilespmem:s31+$0x1D760] =	vst v1  }
.LBB2_20:
0x201: {  	[hbm4b:s1+s21] =	stream.strided.scatter [tilespmem:s26], [sflag:$0x3], $0x1000, s22, s21, $0x38;
	[tilespmem:$0x1E700] =	vst v63  }
0x202: {  	_ =	swait.ge [sflag:s28], $0x1000  }
0x203: {  	[sflag:s28] =	ssyncset.done $0x0  }
0x204: {  	[sflag:s28] =	ssyncadd.s32 $0xFFFFF000  }
0x205: {  	_ =	swait.ge [sflag:s28], $0x1000  }
0x206: {  	[sflag:s28] =	ssyncset.done $0x0  }
0x207: {  	s1 =	simm.s32 $0x0;
	[sflag:s28] =	ssyncadd.s32 $0xFFFFF000  }
0x208: {  	[tilespmem:s20], [sflag:$0x2] =	stream.linear.gather [hbm4b:s15+s1], $0x2000, $0x38;
	[tilespmem:$0x1E700] =	vst v63  }
0x209: {  	_ = 	snop  }
0x20a: {  	[tilespmem:s1], [sflag:$0x1] =	stream.strided.gather [hbm4b:s16+s21], $0x18700, s22, s21, $0x38;
	[tilespmem:$0x1E700] =	vst v63  }
0x20b: {  	_ =	swait.ge [sflag:s23], $0x2000  }
0x20c: {  	[sflag:s23] =	ssyncset.done $0x0  }
0x20d: {  	[sflag:s23] =	ssyncadd.s32 $0xFFFFE000  }
0x20e: {  	_ =	swait.ge [sflag:s24], $0x18700  }
0x20f: {  	[sflag:s24] =	ssyncset.done $0x0  }
0x210: {  	s30 =	simm.s32 $0x0;
	[sflag:s24] =	ssyncadd.s32 $0xFFFE7900  }
0x211: {  	v0 =	vld [tilespmem:s30+$0x18700]  }
0x212: {  	v1 =	vld [tilespmem:s30+$0x18770]  }
0x213: {  	v2 =	vld [tilespmem:s30+$0x18710]  }
0x214: {  	v3 =	vld [tilespmem:s30+$0x18720]  }
0x215: {  	v4 =	vld [tilespmem:s30+$0x18730]  }
0x216: {  	v7 =	vld [tilespmem:s30+$0x18740]  }
0x217: {  	v8 =	vld [tilespmem:s30+$0x18750]  }
0x218: {  	v9 =	vld [tilespmem:s30+$0x18760]  }
0x219: {  	v10 =	vld.idx.msk [tilespmem:v0+s4+$0x0], $0xffff  }
0x21a: {  	v0 =	vld.idx.msk [tilespmem:v1+s4+$0x0], $0xffff  }
0x21b: {  	v6 =	vld.idx.msk [tilespmem:v2+s4+$0x0], $0xffff  }
0x21c: {  	v5 =	vld.idx.msk [tilespmem:v3+s4+$0x0], $0xffff  }
0x21d: {  	v4 =	vld.idx.msk [tilespmem:v4+s4+$0x0], $0xffff  }
0x21e: {  	v3 =	vld.idx.msk [tilespmem:v7+s4+$0x0], $0xffff  }
0x21f: {  	v2 =	vld.idx.msk [tilespmem:v8+s4+$0x0], $0xffff  }
0x220: {  	s31 =	simm.s32 $0x80;
	v1 =	vld.idx.msk [tilespmem:v9+s4+$0x0], $0xffff;
	[tilespmem:s30+$0x1C770] =	vst v0  }
0x221: {  	s1 =	simm.s32 $0x400;
	v0 =	vld [tilespmem:s31+$0x18700];
	[tilespmem:s30+$0x1C700] =	vst v10  }
.LBB2_21:
0x222: {  	p1 =	sne.s32 s1, $0x3E00;
	v7 =	vld [tilespmem:s31+$0x18770];
	[tilespmem:s30+$0x1C710] =	vst v6  }
0x223: {  	v6 =	vld [tilespmem:s31+$0x18710];
	[tilespmem:s30+$0x1C720] =	vst v5  }
0x224: {  	v5 =	vld [tilespmem:s31+$0x18720];
	[tilespmem:s30+$0x1C730] =	vst v4  }
0x225: {  	v4 =	vld [tilespmem:s31+$0x18730];
	[tilespmem:s30+$0x1C740] =	vst v3  }
0x226: {  	v3 =	vld [tilespmem:s31+$0x18740];
	[tilespmem:s30+$0x1C750] =	vst v2  }
0x227: {  	v2 =	vld [tilespmem:s31+$0x18750];
	[tilespmem:s30+$0x1C760] =	vst v1;
	s30 =	smov.u32 s31  }
0x228: {  	v1 =	vld [tilespmem:s30+$0x18760]  }
0x229: {  	v8 =	vld.idx.msk [tilespmem:v0+s4+$0x0], $0xffff  }
0x22a: {  	v0 =	vld.idx.msk [tilespmem:v7+s4+$0x0], $0xffff  }
0x22b: {  	v6 =	vld.idx.msk [tilespmem:v6+s4+$0x0], $0xffff  }
0x22c: {  	v5 =	vld.idx.msk [tilespmem:v5+s4+$0x0], $0xffff  }
.Ltmp10:
0x22d: {  	v4 =	vld.idx.msk [tilespmem:v4+s4+$0x0], $0xffff;
	(pc) =	sbr.rel @p1 .LBB2_21-.Ltmp10, $4  }
0x22e: {  	v3 =	vld.idx.msk [tilespmem:v3+s4+$0x0], $0xffff  }
0x22f: {  	v2 =	vld.idx.msk [tilespmem:v2+s4+$0x0], $0xffff  }
0x230: {  	s31 =	sshra.s32 s1, $0x2;
	v1 =	vld.idx.msk [tilespmem:v1+s4+$0x0], $0xffff;
	[tilespmem:s30+$0x1C770] =	vst v0  }
0x231: {  	s1 =	sadd.s32 $0x200, s1;
	v0 =	vld [tilespmem:s31+$0x18700];
	[tilespmem:s30+$0x1C700] =	vst v8  }
0x232: {  	_ = 	snop  }
0x233: {  	v7 =	vld [tilespmem:s31+$0x18770];
	[tilespmem:s30+$0x1C710] =	vst v6  }
0x234: {  	v6 =	vld [tilespmem:s31+$0x18710];
	[tilespmem:s30+$0x1C720] =	vst v5  }
0x235: {  	v5 =	vld [tilespmem:s31+$0x18720];
	[tilespmem:s30+$0x1C730] =	vst v4  }
0x236: {  	v4 =	vld [tilespmem:s31+$0x18730];
	[tilespmem:s30+$0x1C740] =	vst v3  }
0x237: {  	v3 =	vld [tilespmem:s31+$0x18740];
	[tilespmem:s30+$0x1C750] =	vst v2  }
0x238: {  	v2 =	vld [tilespmem:s31+$0x18750];
	[tilespmem:s30+$0x1C760] =	vst v1  }
0x239: {  	v1 =	vld [tilespmem:s31+$0x18760]  }
0x23a: {  	v0 =	vld.idx.msk [tilespmem:v0+s4+$0x0], $0xffff  }
0x23b: {  	v7 =	vld.idx.msk [tilespmem:v7+s4+$0x0], $0xffff  }
0x23c: {  	v6 =	vld.idx.msk [tilespmem:v6+s4+$0x0], $0xffff  }
0x23d: {  	v5 =	vld.idx.msk [tilespmem:v5+s4+$0x0], $0xffff  }
0x23e: {  	v4 =	vld.idx.msk [tilespmem:v4+s4+$0x0], $0xffff  }
0x23f: {  	v3 =	vld.idx.msk [tilespmem:v3+s4+$0x0], $0xffff  }
0x240: {  	v2 =	vld.idx.msk [tilespmem:v2+s4+$0x0], $0xffff  }
0x241: {  	v1 =	vld.idx.msk [tilespmem:v1+s4+$0x0], $0xffff;
	[tilespmem:s31+$0x1C770] =	vst v7  }
0x242: {  	[tilespmem:s31+$0x1C700] =	vst v0  }
0x243: {  	[tilespmem:s31+$0x1C710] =	vst v6  }
0x244: {  	[tilespmem:s31+$0x1C720] =	vst v5  }
0x245: {  	[tilespmem:s31+$0x1C730] =	vst v4  }
0x246: {  	[tilespmem:s31+$0x1C740] =	vst v3  }
0x247: {  	[tilespmem:s31+$0x1C750] =	vst v2  }
0x248: {  	s30 =	simm.s32 $0x0;
	[tilespmem:s31+$0x1C760] =	vst v1  }
0x249: {  	[hbm4b:s17+s21] =	stream.strided.scatter [tilespmem:s25], [sflag:$0x3], $0x1000, s22, s21, $0x38;
	[tilespmem:$0x1E700] =	vst v63  }
0x24a: {  	v0 =	vld [tilespmem:s30+$0x19700]  }
0x24b: {  	v1 =	vld [tilespmem:s30+$0x19770]  }
0x24c: {  	v2 =	vld [tilespmem:s30+$0x19710]  }
0x24d: {  	v3 =	vld [tilespmem:s30+$0x19720]  }
0x24e: {  	v4 =	vld [tilespmem:s30+$0x19730]  }
0x24f: {  	v7 =	vld [tilespmem:s30+$0x19740]  }
0x250: {  	v8 =	vld [tilespmem:s30+$0x19750]  }
0x251: {  	v9 =	vld [tilespmem:s30+$0x19760]  }
0x252: {  	v10 =	vld.idx.msk [tilespmem:v0+s4+$0x0], $0xffff  }
0x253: {  	v0 =	vld.idx.msk [tilespmem:v1+s4+$0x0], $0xffff  }
0x254: {  	v6 =	vld.idx.msk [tilespmem:v2+s4+$0x0], $0xffff  }
0x255: {  	v5 =	vld.idx.msk [tilespmem:v3+s4+$0x0], $0xffff  }
0x256: {  	v4 =	vld.idx.msk [tilespmem:v4+s4+$0x0], $0xffff  }
0x257: {  	v3 =	vld.idx.msk [tilespmem:v7+s4+$0x0], $0xffff  }
0x258: {  	v2 =	vld.idx.msk [tilespmem:v8+s4+$0x0], $0xffff  }
0x259: {  	s31 =	simm.s32 $0x80;
	v1 =	vld.idx.msk [tilespmem:v9+s4+$0x0], $0xffff;
	[tilespmem:s30+$0x1D770] =	vst v0  }
0x25a: {  	s1 =	simm.s32 $0x400;
	v0 =	vld [tilespmem:s31+$0x19700];
	[tilespmem:s30+$0x1D700] =	vst v10  }
.LBB2_23:
0x25b: {  	p1 =	sne.s32 s1, $0x3E00;
	v7 =	vld [tilespmem:s31+$0x19770];
	[tilespmem:s30+$0x1D710] =	vst v6  }
0x25c: {  	v6 =	vld [tilespmem:s31+$0x19710];
	[tilespmem:s30+$0x1D720] =	vst v5  }
0x25d: {  	v5 =	vld [tilespmem:s31+$0x19720];
	[tilespmem:s30+$0x1D730] =	vst v4  }
0x25e: {  	v4 =	vld [tilespmem:s31+$0x19730];
	[tilespmem:s30+$0x1D740] =	vst v3  }
0x25f: {  	v3 =	vld [tilespmem:s31+$0x19740];
	[tilespmem:s30+$0x1D750] =	vst v2  }
0x260: {  	v2 =	vld [tilespmem:s31+$0x19750];
	[tilespmem:s30+$0x1D760] =	vst v1;
	s30 =	smov.u32 s31  }
0x261: {  	v1 =	vld [tilespmem:s30+$0x19760]  }
0x262: {  	v8 =	vld.idx.msk [tilespmem:v0+s4+$0x0], $0xffff  }
0x263: {  	v0 =	vld.idx.msk [tilespmem:v7+s4+$0x0], $0xffff  }
0x264: {  	v6 =	vld.idx.msk [tilespmem:v6+s4+$0x0], $0xffff  }
0x265: {  	v5 =	vld.idx.msk [tilespmem:v5+s4+$0x0], $0xffff  }
.Ltmp11:
0x266: {  	v4 =	vld.idx.msk [tilespmem:v4+s4+$0x0], $0xffff;
	(pc) =	sbr.rel @p1 .LBB2_23-.Ltmp11, $4  }
0x267: {  	v3 =	vld.idx.msk [tilespmem:v3+s4+$0x0], $0xffff  }
0x268: {  	v2 =	vld.idx.msk [tilespmem:v2+s4+$0x0], $0xffff  }
0x269: {  	s31 =	sshra.s32 s1, $0x2;
	v1 =	vld.idx.msk [tilespmem:v1+s4+$0x0], $0xffff;
	[tilespmem:s30+$0x1D770] =	vst v0  }
0x26a: {  	s1 =	sadd.s32 $0x200, s1;
	v0 =	vld [tilespmem:s31+$0x19700];
	[tilespmem:s30+$0x1D700] =	vst v8  }
0x26b: {  	_ = 	snop  }
0x26c: {  	v7 =	vld [tilespmem:s31+$0x19770];
	[tilespmem:s30+$0x1D710] =	vst v6  }
0x26d: {  	v6 =	vld [tilespmem:s31+$0x19710];
	[tilespmem:s30+$0x1D720] =	vst v5  }
0x26e: {  	v5 =	vld [tilespmem:s31+$0x19720];
	[tilespmem:s30+$0x1D730] =	vst v4  }
0x26f: {  	v4 =	vld [tilespmem:s31+$0x19730];
	[tilespmem:s30+$0x1D740] =	vst v3  }
0x270: {  	v3 =	vld [tilespmem:s31+$0x19740];
	[tilespmem:s30+$0x1D750] =	vst v2  }
0x271: {  	v2 =	vld [tilespmem:s31+$0x19750];
	[tilespmem:s30+$0x1D760] =	vst v1  }
0x272: {  	v1 =	vld [tilespmem:s31+$0x19760]  }
0x273: {  	v0 =	vld.idx.msk [tilespmem:v0+s4+$0x0], $0xffff  }
0x274: {  	v7 =	vld.idx.msk [tilespmem:v7+s4+$0x0], $0xffff  }
0x275: {  	v6 =	vld.idx.msk [tilespmem:v6+s4+$0x0], $0xffff  }
0x276: {  	v5 =	vld.idx.msk [tilespmem:v5+s4+$0x0], $0xffff  }
0x277: {  	v4 =	vld.idx.msk [tilespmem:v4+s4+$0x0], $0xffff  }
0x278: {  	v3 =	vld.idx.msk [tilespmem:v3+s4+$0x0], $0xffff  }
0x279: {  	v2 =	vld.idx.msk [tilespmem:v2+s4+$0x0], $0xffff  }
0x27a: {  	v1 =	vld.idx.msk [tilespmem:v1+s4+$0x0], $0xffff;
	[tilespmem:s31+$0x1D770] =	vst v7  }
0x27b: {  	[tilespmem:s31+$0x1D700] =	vst v0  }
0x27c: {  	[tilespmem:s31+$0x1D710] =	vst v6  }
0x27d: {  	[tilespmem:s31+$0x1D720] =	vst v5  }
0x27e: {  	[tilespmem:s31+$0x1D730] =	vst v4  }
0x27f: {  	[tilespmem:s31+$0x1D740] =	vst v3  }
0x280: {  	[tilespmem:s31+$0x1D750] =	vst v2  }
0x281: {  	s29 =	sadd.s32 $0x1, s29;
	[tilespmem:s31+$0x1D760] =	vst v1  }
0x282: {  	[hbm4b:s18+s21] =	stream.strided.scatter [tilespmem:s26], [sflag:$0x3], $0x1000, s22, s21, $0x38;
	[tilespmem:$0x1E700] =	vst v63  }
0x283: {  	p1 =	sne.s32 s29, s19;
	_ =	swait.ge [sflag:s28], $0x1000  }
.Ltmp12:
0x284: {  	[sflag:s28] =	ssyncset.done $0x0;
	(pc) =	sbr.rel @p1 .LBB2_1-.Ltmp12, $4  }
0x285: {  	[sflag:s28] =	ssyncadd.s32 $0xFFFFF000  }
0x286: {  	_ =	swait.ge [sflag:s28], $0x1000  }
0x287: {  	[sflag:s28] =	ssyncset.done $0x0  }
0x288: {  	[sflag:s28] =	ssyncadd.s32 $0xFFFFF000  }
0x289: {  	_ =	sfence.sel $0x180000  }
0x28a: {  	[bflag:$0x0] =	sbarrier.arrive $0xFFFF  }
0x28b: {  	_ =	strace $0x90000047  }
0x28c: {  	[bflag:$0x2] =	sbarrier.arrive $0xFFFF  }
0x28d: {  	p0 =	sne.s32 s3, $0x0;
	s0 =	rddreg [dreg:$0x7]  }
0x28e: {  	s0 =	sadd.s32 @!p0 $0x100000, s0  }
0x28f: {  	[sflag:s0] =	ssyncadd.tile.s32 @!p0 $0x1;
	_ =	shalt  }
.Lfunc_end2:
_tile_overlayer_lowered:
.L_overlay_start_2:
0x290: {  	(tag) =	ssettag $0x2  }
0x291: {  	s0 =	rddreg [dreg:$0x0];
	s2 =	stileid.u32  }
0x292: {  	s1 =	rddreg [dreg:$0x1];
	p0 =	sne.s32 s2, $0x0  }
0x293: {  	s3 =	rddreg [dreg:$0x2];
	[bflag:$0x3] =	sbarrier.arrive $0xFFFF;
	s2 =	simm.s32 @!p0 $0x1C04  }
0x294: {  	[timem:s3], [sflag:s2] =	dma.local @!p0 [hbm:s0], s1  }
0x295: {  	s0 =	simm.s32 @!p0 $0x4  }
0x296: {  	_ =	swait.ge @!p0 [sflag:s0], s1  }
0x297: {  	s1 =	ssub.s32 @!p0 $0x0, s1;
	[sflag:s0] =	ssyncset.done @!p0 $0x0  }
0x298: {  	[sflag:s0] =	ssyncadd.s32 @!p0 s1  }
0x299: {  	[bflag:$0x3] =	sbarrier.arrive $0xFFFF  }
0x29a: {  	_ =	shalt  }

</sc_bundles>
